<compile_context>
chip_gen: v7x
topology: tpu7x:2x2x1
jax: 0.10.2.dev20260603
libtpu: 0.0.44.dev20260713+nightly
codegen_flags: <defaults>
</compile_context>

<pallas_src>
import functools

import jax
import jax.numpy as jnp
from jax import lax
from jax.experimental import pallas as pl
from jax.experimental.pallas import tpu as pltpu
from jax.experimental.pallas import tpu_sc as plsc

_NC = 2
_NS = 16
_LANES = 16
_NW = _NC * _NS
_NBUF = 4


@functools.partial(jax.jit, static_argnums=())
def kernel(x, table, pos_enc):
    B, T = x.shape
    V, D = table.shape
    W = 2 * D
    scale = float(D) ** 0.5

    seq_per_w = B // _NW
    n_chunks = seq_per_w

    mesh = plsc.VectorSubcoreMesh(core_axis_name="c", subcore_axis_name="s")

    @functools.partial(
        pl.kernel,
        out_type=jax.ShapeDtypeStruct((B, T, W), jnp.float32),
        mesh=mesh,
        scratch_types=[
            pltpu.VMEM((seq_per_w, T), jnp.int32),
            pltpu.VMEM((T, D), jnp.float32),
            pltpu.VMEM((_NBUF, T, D), jnp.float32),
            pltpu.SemaphoreType.DMA((_NBUF,)),
            pltpu.SemaphoreType.DMA((_NBUF,)),
        ],
        compiler_params=pltpu.CompilerParams(use_tc_tiling_on_sc=False),
    )
    def sc_embed(x_hbm, table_hbm, pos_hbm, out_hbm, idx_v, pos_v, rows_v, gsem, osem):
        wid = lax.axis_index("s") * _NC + lax.axis_index("c")
        w_base = wid * seq_per_w
        pltpu.sync_copy(x_hbm.at[pl.ds(w_base, seq_per_w)], idx_v)
        pltpu.sync_copy(pos_hbm, pos_v)

        def start_gather(g, b):
            pltpu.async_copy(table_hbm.at[idx_v.at[g]], rows_v.at[b], gsem.at[b])

        def wait_gather(g, b):
            pltpu.make_async_copy(
                table_hbm.at[idx_v.at[g]], rows_v.at[b], gsem.at[b]
            ).wait()

        def start_out(g, b):
            pltpu.async_copy(
                rows_v.at[b], out_hbm.at[w_base + g, :, pl.ds(0, D)], osem.at[b]
            )

        def wait_out(g, b):
            pltpu.make_async_copy(
                rows_v.at[b], out_hbm.at[w_base + g, :, pl.ds(0, D)], osem.at[b]
            ).wait()

        start_gather(0, 0)
        start_gather(1, 1)

        def chunk_body(g, carry):
            b = lax.rem(g, _NBUF)
            wait_gather(g, b)

            @plsc.parallel_loop(0, T, unroll=4)
            def _compute(r):
                for c in range(D // _LANES):
                    sl = pl.ds(c * _LANES, _LANES)
                    rows_v[b, r, sl] = rows_v[b, r, sl] * scale + pos_v[r, sl]

            start_out(g, b)

            b2 = lax.rem(g + 2, _NBUF)

            @pl.when(g >= 2)
            def _():
                wait_out(g - 2, b2)

            @pl.when(g + 2 < n_chunks)
            def _():
                start_gather(g + 2, b2)

            return carry

        lax.fori_loop(0, n_chunks, chunk_body, 0)
        wait_out(n_chunks - 2, lax.rem(n_chunks - 2, _NBUF))
        wait_out(n_chunks - 1, lax.rem(n_chunks - 1, _NBUF))

    out = sc_embed(x, table, pos_enc)
    return out[:, :, :D]

# --- scband reference (transcript-rebuilt; emitter-appended) ---
"""Pipeline reference for scband-positional-embedding-14671608283787 (READ-ONLY COPY).

The authoritative reference and input builder live on the scoring server;
editing this copy changes nothing except your own understanding.
"""

import jax, jax.numpy as jnp
import numpy as np

VOCAB = 1000000
EMB = 64
LENGTH = 200
BATCH = 4096


def positional_encoding(length, depth):
    depth = depth / 2
    positions = np.arange(length)[:, np.newaxis]
    depths = np.arange(depth)[np.newaxis, :] / depth
    angle_rates = 1 / 10000 ** depths
    angle_rads = positions * angle_rates
    pos_encoding = np.concatenate([np.sin(angle_rads), np.cos(angle_rads)], axis=-1)
    return jnp.asarray(pos_encoding, dtype=jnp.float32)


def setup_inputs(seed: int = 0) -> dict:
    key = jax.random.key(seed)
    k1, k2 = jax.random.split(key)
    x = jax.random.randint(k1, (BATCH, LENGTH), 0, VOCAB, dtype=jnp.int32)
    # Keras Embedding default init is uniform(-0.05, 0.05)
    table = jax.random.uniform(k2, (VOCAB, EMB), dtype=jnp.float32, minval=-0.05, maxval=0.05)
    pos_enc = positional_encoding(LENGTH, EMB)
    return {"x": x, "table": table, "pos_enc": pos_enc}


def reference(x, table, pos_enc):
    length = x.shape[1]
    emb = jnp.take(table, x, axis=0)
    emb = emb * jnp.sqrt(jnp.asarray(EMB, dtype=jnp.float32))
    out = emb + pos_enc[jnp.newaxis, :length, :]
    return out

if __name__ == "__main__":
    import jax
    _d = setup_inputs()
    print(jax.jit(kernel)(*tuple(_d.values())))

</pallas_src>

<mosaic_0001>
#map = affine_map<(d0, d1) -> (0, 0)>
#map1 = affine_map<(d0, d1) -> (0, 0, 0)>
module attributes {stable_mosaic.version = 14 : i64} {
  func.func @sc_embed(%arg0: i32, %arg1: i32, %arg2: memref<4096x200xi32, #tpu.memory_space<hbm>>, %arg3: memref<1000000x64xf32, #tpu.memory_space<hbm>>, %arg4: memref<200x64xf32, #tpu.memory_space<hbm>>, %arg5: memref<4096x200x128xf32, #tpu.memory_space<hbm>>, %arg6: memref<128x200xi32, #tpu.memory_space<vmem>>, %arg7: memref<200x64xf32, #tpu.memory_space<vmem>>, %arg8: memref<4x200x64xf32, #tpu.memory_space<vmem>>, %arg9: memref<4x!tpu.dma_semaphore, #tpu.memory_space<semaphore_mem>>, %arg10: memref<4x!tpu.dma_semaphore, #tpu.memory_space<semaphore_mem>>) attributes {dimension_semantics = [#tpu.dimension_semantics<core_parallel>, #tpu.dimension_semantics<subcore_parallel>], iteration_bounds = array<i64: 2, 16>, scalar_prefetch = 0 : i64, scratch_operands = 5 : i64, tpu.core_type = #tpu.core_type<sc_vector_subcore>, window_params = [{transform_indices = #map}, {transform_indices = #map}, {transform_indices = #map}, {transform_indices = #map1}]} {
    %mul3A = arith.constant 2 : i32
    %mul3A_0 = arith.muli %arg1, %mul3A : i32
    %add3A = arith.addi %mul3A_0, %arg0 : i32
    %mul3A_1 = arith.constant 128 : i32
    %mul3A_2 = arith.muli %add3A, %mul3A_1 : i32
    "tpu.region"() ({
      %run_scoped3A = tpu.sem_alloc : memref<!tpu.dma_semaphore, #tpu.memory_space<semaphore_mem>>
      %dma_start3A_81 = arith.constant 0 : i32
      %dma_start3A_82 = tpu.memref_slice %arg2[%mul3A_2, %dma_start3A_81] : memref<4096x200xi32, #tpu.memory_space<hbm>> -> memref<128x200xi32, #tpu.memory_space<hbm>>
      %dma_start3A_83 = arith.constant 0 : i32
      %dma_start3A_84 = tpu.memref_slice %arg2[%mul3A_2, %dma_start3A_83] : memref<4096x200xi32, #tpu.memory_space<hbm>> -> memref<128x200xi32, #tpu.memory_space<hbm>>
      tpu.enqueue_dma source(%dma_start3A_84 : memref<128x200xi32, #tpu.memory_space<hbm>>) target(%arg6 : memref<128x200xi32, #tpu.memory_space<vmem>>) target_semaphore(%run_scoped3A : memref<!tpu.dma_semaphore, #tpu.memory_space<semaphore_mem>>)
      %dma_wait3A_85 = arith.constant 0 : i32
      %dma_wait3A_86 = tpu.memref_slice %arg2[%mul3A_2, %dma_wait3A_85] : memref<4096x200xi32, #tpu.memory_space<hbm>> -> memref<128x200xi32, #tpu.memory_space<hbm>>
      %dma_wait3A_87 = arith.constant 0 : i32
      %dma_wait3A_88 = tpu.memref_slice %arg2[%mul3A_2, %dma_wait3A_87] : memref<4096x200xi32, #tpu.memory_space<hbm>> -> memref<128x200xi32, #tpu.memory_space<hbm>>
      tpu.wait_dma2 semaphore(%run_scoped3A : memref<!tpu.dma_semaphore, #tpu.memory_space<semaphore_mem>>) src(%dma_wait3A_88 : memref<128x200xi32, #tpu.memory_space<hbm>>) dst(%arg6 : memref<128x200xi32, #tpu.memory_space<vmem>>)
      tpu.yield
    }) : () -> ()
    "tpu.region"() ({
      %run_scoped3A = tpu.sem_alloc : memref<!tpu.dma_semaphore, #tpu.memory_space<semaphore_mem>>
      tpu.enqueue_dma source(%arg4 : memref<200x64xf32, #tpu.memory_space<hbm>>) target(%arg7 : memref<200x64xf32, #tpu.memory_space<vmem>>) target_semaphore(%run_scoped3A : memref<!tpu.dma_semaphore, #tpu.memory_space<semaphore_mem>>)
      tpu.wait_dma2 semaphore(%run_scoped3A : memref<!tpu.dma_semaphore, #tpu.memory_space<semaphore_mem>>) src(%arg4 : memref<200x64xf32, #tpu.memory_space<hbm>>) dst(%arg7 : memref<200x64xf32, #tpu.memory_space<vmem>>)
      tpu.yield
    }) : () -> ()
    %dma_start3A = arith.constant 0 : i32
    %dma_start3A_3 = arith.constant 0 : i32
    %dma_start3A_4 = arith.constant 0 : i32
    %dma_start3A_5 = arith.constant 0 : i32
    %dma_start3A_6 = arith.constant 0 : i32
    %dma_start3A_7 = tpu.memref_slice %arg8[%dma_start3A_3, %dma_start3A_5, %dma_start3A_6] : memref<4x200x64xf32, #tpu.memory_space<vmem>> -> memref<1x200x64xf32, #tpu.memory_space<vmem>>
    %dma_start3A_8 = tpu.memref_squeeze %dma_start3A_7 : memref<1x200x64xf32, #tpu.memory_space<vmem>> -> memref<200x64xf32, #tpu.memory_space<vmem>>
    %dma_start3A_9 = arith.constant 0 : i32
    %dma_start3A_10 = tpu.memref_slice %arg6[%dma_start3A, %dma_start3A_9] : memref<128x200xi32, #tpu.memory_space<vmem>> -> memref<1x200xi32, #tpu.memory_space<vmem>>
    %dma_start3A_11 = tpu.memref_squeeze %dma_start3A_10 : memref<1x200xi32, #tpu.memory_space<vmem>> -> memref<200xi32, #tpu.memory_space<vmem>>
    %dma_start3A_12 = arith.constant 0 : i32
    %dma_start3A_13 = arith.constant 0 : i32
    %dma_start3A_14 = tpu.memref_slice %arg3[%dma_start3A_12, %dma_start3A_13] : memref<1000000x64xf32, #tpu.memory_space<hbm>> -> memref<1000000x64xf32, #tpu.memory_space<hbm>>
    %dma_start3A_15 = tpu.memref_slice %arg9[%dma_start3A_4] : memref<4x!tpu.dma_semaphore, #tpu.memory_space<semaphore_mem>> -> memref<1x!tpu.dma_semaphore, #tpu.memory_space<semaphore_mem>>
    %dma_start3A_16 = tpu.memref_squeeze %dma_start3A_15 : memref<1x!tpu.dma_semaphore, #tpu.memory_space<semaphore_mem>> -> memref<!tpu.dma_semaphore, #tpu.memory_space<semaphore_mem>>
    tpu.enqueue_indirect_dma source(%dma_start3A_14 : memref<1000000x64xf32, #tpu.memory_space<hbm>>) target(%dma_start3A_8 : memref<200x64xf32, #tpu.memory_space<vmem>>) offsets(%dma_start3A_11 : memref<200xi32, #tpu.memory_space<vmem>>) semaphore(%dma_start3A_16 : memref<!tpu.dma_semaphore, #tpu.memory_space<semaphore_mem>>)
    %dma_start3A_17 = arith.constant 1 : i32
    %dma_start3A_18 = arith.constant 1 : i32
    %dma_start3A_19 = arith.constant 1 : i32
    %dma_start3A_20 = arith.constant 0 : i32
    %dma_start3A_21 = arith.constant 0 : i32
    %dma_start3A_22 = tpu.memref_slice %arg8[%dma_start3A_18, %dma_start3A_20, %dma_start3A_21] : memref<4x200x64xf32, #tpu.memory_space<vmem>> -> memref<1x200x64xf32, #tpu.memory_space<vmem>>
    %dma_start3A_23 = tpu.memref_squeeze %dma_start3A_22 : memref<1x200x64xf32, #tpu.memory_space<vmem>> -> memref<200x64xf32, #tpu.memory_space<vmem>>
    %dma_start3A_24 = arith.constant 0 : i32
    %dma_start3A_25 = tpu.memref_slice %arg6[%dma_start3A_17, %dma_start3A_24] : memref<128x200xi32, #tpu.memory_space<vmem>> -> memref<1x200xi32, #tpu.memory_space<vmem>>
    %dma_start3A_26 = tpu.memref_squeeze %dma_start3A_25 : memref<1x200xi32, #tpu.memory_space<vmem>> -> memref<200xi32, #tpu.memory_space<vmem>>
    %dma_start3A_27 = arith.constant 0 : i32
    %dma_start3A_28 = arith.constant 0 : i32
    %dma_start3A_29 = tpu.memref_slice %arg3[%dma_start3A_27, %dma_start3A_28] : memref<1000000x64xf32, #tpu.memory_space<hbm>> -> memref<1000000x64xf32, #tpu.memory_space<hbm>>
    %dma_start3A_30 = tpu.memref_slice %arg9[%dma_start3A_19] : memref<4x!tpu.dma_semaphore, #tpu.memory_space<semaphore_mem>> -> memref<1x!tpu.dma_semaphore, #tpu.memory_space<semaphore_mem>>
    %dma_start3A_31 = tpu.memref_squeeze %dma_start3A_30 : memref<1x!tpu.dma_semaphore, #tpu.memory_space<semaphore_mem>> -> memref<!tpu.dma_semaphore, #tpu.memory_space<semaphore_mem>>
    tpu.enqueue_indirect_dma source(%dma_start3A_29 : memref<1000000x64xf32, #tpu.memory_space<hbm>>) target(%dma_start3A_23 : memref<200x64xf32, #tpu.memory_space<vmem>>) offsets(%dma_start3A_26 : memref<200xi32, #tpu.memory_space<vmem>>) semaphore(%dma_start3A_31 : memref<!tpu.dma_semaphore, #tpu.memory_space<semaphore_mem>>)
    %scan3A = arith.constant 0 : i32
    %scan3A_32 = arith.constant 0 : i32
    %scan3A_33 = arith.constant 128 : i32
    %scan3A_34 = arith.addi %scan3A_32, %scan3A_33 : i32
    %scan3A_35 = arith.constant 1 : i32
    scf.for %scan3A_81 = %scan3A_32 to %scan3A_34 step %scan3A_35  : i32 {
      %rem3A_82 = arith.constant 4 : i32
      %rem3A_83 = arith.remsi %scan3A_81, %rem3A_82 : i32
      %dma_wait3A_84 = arith.constant 0 : i32
      %dma_wait3A_85 = arith.constant 0 : i32
      %dma_wait3A_86 = tpu.memref_slice %arg8[%rem3A_83, %dma_wait3A_84, %dma_wait3A_85] : memref<4x200x64xf32, #tpu.memory_space<vmem>> -> memref<1x200x64xf32, #tpu.memory_space<vmem>>
      %dma_wait3A_87 = tpu.memref_squeeze %dma_wait3A_86 : memref<1x200x64xf32, #tpu.memory_space<vmem>> -> memref<200x64xf32, #tpu.memory_space<vmem>>
      %dma_wait3A_88 = arith.constant 0 : i32
      %dma_wait3A_89 = tpu.memref_slice %arg6[%scan3A_81, %dma_wait3A_88] : memref<128x200xi32, #tpu.memory_space<vmem>> -> memref<1x200xi32, #tpu.memory_space<vmem>>
      %dma_wait3A_90 = tpu.memref_squeeze %dma_wait3A_89 : memref<1x200xi32, #tpu.memory_space<vmem>> -> memref<200xi32, #tpu.memory_space<vmem>>
      %dma_wait3A_91 = arith.constant 0 : i32
      %dma_wait3A_92 = arith.constant 0 : i32
      %dma_wait3A_93 = tpu.memref_slice %arg3[%dma_wait3A_91, %dma_wait3A_92] : memref<1000000x64xf32, #tpu.memory_space<hbm>> -> memref<1000000x64xf32, #tpu.memory_space<hbm>>
      %dma_wait3A_94 = tpu.memref_slice %arg9[%rem3A_83] : memref<4x!tpu.dma_semaphore, #tpu.memory_space<semaphore_mem>> -> memref<1x!tpu.dma_semaphore, #tpu.memory_space<semaphore_mem>>
      %dma_wait3A_95 = tpu.memref_squeeze %dma_wait3A_94 : memref<1x!tpu.dma_semaphore, #tpu.memory_space<semaphore_mem>> -> memref<!tpu.dma_semaphore, #tpu.memory_space<semaphore_mem>>
      tpu.wait_indirect_dma semaphore(%dma_wait3A_95 : memref<!tpu.dma_semaphore, #tpu.memory_space<semaphore_mem>>) src(%dma_wait3A_93 : memref<1000000x64xf32, #tpu.memory_space<hbm>>) dst(%dma_wait3A_87 : memref<200x64xf32, #tpu.memory_space<vmem>>)
      %parallel_loop3A = arith.constant 0 : i32
      %parallel_loop3A_96 = arith.constant 200 : i32
      %parallel_loop3A_97 = arith.constant 1 : i32
      scf.for %parallel_loop3A_129 = %parallel_loop3A to %parallel_loop3A_96 step %parallel_loop3A_97  : i32 {
        %parallel_loop3A_130 = arith.index_cast %rem3A_83 : i32 to index
        %parallel_loop3A_131 = arith.index_cast %parallel_loop3A_129 : i32 to index
        %parallel_loop3A_132 = arith.constant 0 : index
        %parallel_loop3A_133 = tpu.vector_load %arg8[%parallel_loop3A_130, %parallel_loop3A_131, %parallel_loop3A_132] {strides = array<i32>} : memref<4x200x64xf32, #tpu.memory_space<vmem>>, vector<1x1x16xf32>,
        %parallel_loop3A_134 = vector.shape_cast %parallel_loop3A_133 : vector<1x1x16xf32> to vector<16xf32>
        %parallel_loop3A_135 = arith.constant 8.000000e+00 : f32
        %parallel_loop3A_136 = vector.broadcast %parallel_loop3A_135 : f32 to vector<16xf32>
        %parallel_loop3A_137 = arith.mulf %parallel_loop3A_134, %parallel_loop3A_136 : vector<16xf32>
        %parallel_loop3A_138 = arith.index_cast %parallel_loop3A_129 : i32 to index
        %parallel_loop3A_139 = arith.constant 0 : index
        %parallel_loop3A_140 = tpu.vector_load %arg7[%parallel_loop3A_138, %parallel_loop3A_139] {strides = array<i32>} : memref<200x64xf32, #tpu.memory_space<vmem>>, vector<1x16xf32>,
        %parallel_loop3A_141 = vector.shape_cast %parallel_loop3A_140 : vector<1x16xf32> to vector<16xf32>
        %parallel_loop3A_142 = arith.addf %parallel_loop3A_137, %parallel_loop3A_141 : vector<16xf32>
        %parallel_loop3A_143 = arith.index_cast %rem3A_83 : i32 to index
        %parallel_loop3A_144 = arith.index_cast %parallel_loop3A_129 : i32 to index
        %parallel_loop3A_145 = arith.constant 0 : index
        %parallel_loop3A_146 = tpu.vector_load %arg8[%parallel_loop3A_143, %parallel_loop3A_144, %parallel_loop3A_145] {strides = array<i32>} : memref<4x200x64xf32, #tpu.memory_space<vmem>>, vector<1x1x16xf32>,
        %parallel_loop3A_147 = vector.shape_cast %parallel_loop3A_146 : vector<1x1x16xf32> to vector<16xf32>
        %parallel_loop3A_148 = vector.shape_cast %parallel_loop3A_142 : vector<16xf32> to vector<1x1x16xf32>
        tpu.vector_store %arg8[%parallel_loop3A_143, %parallel_loop3A_144, %parallel_loop3A_145], %parallel_loop3A_148 {strides = array<i32>} : memref<4x200x64xf32, #tpu.memory_space<vmem>>, vector<1x1x16xf32>,
        %parallel_loop3A_149 = arith.index_cast %rem3A_83 : i32 to index
        %parallel_loop3A_150 = arith.index_cast %parallel_loop3A_129 : i32 to index
        %parallel_loop3A_151 = arith.constant 16 : index
        %parallel_loop3A_152 = tpu.vector_load %arg8[%parallel_loop3A_149, %parallel_loop3A_150, %parallel_loop3A_151] {strides = array<i32>} : memref<4x200x64xf32, #tpu.memory_space<vmem>>, vector<1x1x16xf32>,
        %parallel_loop3A_153 = vector.shape_cast %parallel_loop3A_152 : vector<1x1x16xf32> to vector<16xf32>
        %parallel_loop3A_154 = arith.constant 8.000000e+00 : f32
        %parallel_loop3A_155 = vector.broadcast %parallel_loop3A_154 : f32 to vector<16xf32>
        %parallel_loop3A_156 = arith.mulf %parallel_loop3A_153, %parallel_loop3A_155 : vector<16xf32>
        %parallel_loop3A_157 = arith.index_cast %parallel_loop3A_129 : i32 to index
        %parallel_loop3A_158 = arith.constant 16 : index
        %parallel_loop3A_159 = tpu.vector_load %arg7[%parallel_loop3A_157, %parallel_loop3A_158] {strides = array<i32>} : memref<200x64xf32, #tpu.memory_space<vmem>>, vector<1x16xf32>,
        %parallel_loop3A_160 = vector.shape_cast %parallel_loop3A_159 : vector<1x16xf32> to vector<16xf32>
        %parallel_loop3A_161 = arith.addf %parallel_loop3A_156, %parallel_loop3A_160 : vector<16xf32>
        %parallel_loop3A_162 = arith.index_cast %rem3A_83 : i32 to index
        %parallel_loop3A_163 = arith.index_cast %parallel_loop3A_129 : i32 to index
        %parallel_loop3A_164 = arith.constant 16 : index
        %parallel_loop3A_165 = tpu.vector_load %arg8[%parallel_loop3A_162, %parallel_loop3A_163, %parallel_loop3A_164] {strides = array<i32>} : memref<4x200x64xf32, #tpu.memory_space<vmem>>, vector<1x1x16xf32>,
        %parallel_loop3A_166 = vector.shape_cast %parallel_loop3A_165 : vector<1x1x16xf32> to vector<16xf32>
        %parallel_loop3A_167 = vector.shape_cast %parallel_loop3A_161 : vector<16xf32> to vector<1x1x16xf32>
        tpu.vector_store %arg8[%parallel_loop3A_162, %parallel_loop3A_163, %parallel_loop3A_164], %parallel_loop3A_167 {strides = array<i32>} : memref<4x200x64xf32, #tpu.memory_space<vmem>>, vector<1x1x16xf32>,
        %parallel_loop3A_168 = arith.index_cast %rem3A_83 : i32 to index
        %parallel_loop3A_169 = arith.index_cast %parallel_loop3A_129 : i32 to index
        %parallel_loop3A_170 = arith.constant 32 : index
        %parallel_loop3A_171 = tpu.vector_load %arg8[%parallel_loop3A_168, %parallel_loop3A_169, %parallel_loop3A_170] {strides = array<i32>} : memref<4x200x64xf32, #tpu.memory_space<vmem>>, vector<1x1x16xf32>,
        %parallel_loop3A_172 = vector.shape_cast %parallel_loop3A_171 : vector<1x1x16xf32> to vector<16xf32>
        %parallel_loop3A_173 = arith.constant 8.000000e+00 : f32
        %parallel_loop3A_174 = vector.broadcast %parallel_loop3A_173 : f32 to vector<16xf32>
        %parallel_loop3A_175 = arith.mulf %parallel_loop3A_172, %parallel_loop3A_174 : vector<16xf32>
        %parallel_loop3A_176 = arith.index_cast %parallel_loop3A_129 : i32 to index
        %parallel_loop3A_177 = arith.constant 32 : index
        %parallel_loop3A_178 = tpu.vector_load %arg7[%parallel_loop3A_176, %parallel_loop3A_177] {strides = array<i32>} : memref<200x64xf32, #tpu.memory_space<vmem>>, vector<1x16xf32>,
        %parallel_loop3A_179 = vector.shape_cast %parallel_loop3A_178 : vector<1x16xf32> to vector<16xf32>
        %parallel_loop3A_180 = arith.addf %parallel_loop3A_175, %parallel_loop3A_179 : vector<16xf32>
        %parallel_loop3A_181 = arith.index_cast %rem3A_83 : i32 to index
        %parallel_loop3A_182 = arith.index_cast %parallel_loop3A_129 : i32 to index
        %parallel_loop3A_183 = arith.constant 32 : index
        %parallel_loop3A_184 = tpu.vector_load %arg8[%parallel_loop3A_181, %parallel_loop3A_182, %parallel_loop3A_183] {strides = array<i32>} : memref<4x200x64xf32, #tpu.memory_space<vmem>>, vector<1x1x16xf32>,
        %parallel_loop3A_185 = vector.shape_cast %parallel_loop3A_184 : vector<1x1x16xf32> to vector<16xf32>
        %parallel_loop3A_186 = vector.shape_cast %parallel_loop3A_180 : vector<16xf32> to vector<1x1x16xf32>
        tpu.vector_store %arg8[%parallel_loop3A_181, %parallel_loop3A_182, %parallel_loop3A_183], %parallel_loop3A_186 {strides = array<i32>} : memref<4x200x64xf32, #tpu.memory_space<vmem>>, vector<1x1x16xf32>,
        %parallel_loop3A_187 = arith.index_cast %rem3A_83 : i32 to index
        %parallel_loop3A_188 = arith.index_cast %parallel_loop3A_129 : i32 to index
        %parallel_loop3A_189 = arith.constant 48 : index
        %parallel_loop3A_190 = tpu.vector_load %arg8[%parallel_loop3A_187, %parallel_loop3A_188, %parallel_loop3A_189] {strides = array<i32>} : memref<4x200x64xf32, #tpu.memory_space<vmem>>, vector<1x1x16xf32>,
        %parallel_loop3A_191 = vector.shape_cast %parallel_loop3A_190 : vector<1x1x16xf32> to vector<16xf32>
        %parallel_loop3A_192 = arith.constant 8.000000e+00 : f32
        %parallel_loop3A_193 = vector.broadcast %parallel_loop3A_192 : f32 to vector<16xf32>
        %parallel_loop3A_194 = arith.mulf %parallel_loop3A_191, %parallel_loop3A_193 : vector<16xf32>
        %parallel_loop3A_195 = arith.index_cast %parallel_loop3A_129 : i32 to index
        %parallel_loop3A_196 = arith.constant 48 : index
        %parallel_loop3A_197 = tpu.vector_load %arg7[%parallel_loop3A_195, %parallel_loop3A_196] {strides = array<i32>} : memref<200x64xf32, #tpu.memory_space<vmem>>, vector<1x16xf32>,
        %parallel_loop3A_198 = vector.shape_cast %parallel_loop3A_197 : vector<1x16xf32> to vector<16xf32>
        %parallel_loop3A_199 = arith.addf %parallel_loop3A_194, %parallel_loop3A_198 : vector<16xf32>
        %parallel_loop3A_200 = arith.index_cast %rem3A_83 : i32 to index
        %parallel_loop3A_201 = arith.index_cast %parallel_loop3A_129 : i32 to index
        %parallel_loop3A_202 = arith.constant 48 : index
        %parallel_loop3A_203 = tpu.vector_load %arg8[%parallel_loop3A_200, %parallel_loop3A_201, %parallel_loop3A_202] {strides = array<i32>} : memref<4x200x64xf32, #tpu.memory_space<vmem>>, vector<1x1x16xf32>,
        %parallel_loop3A_204 = vector.shape_cast %parallel_loop3A_203 : vector<1x1x16xf32> to vector<16xf32>
        %parallel_loop3A_205 = vector.shape_cast %parallel_loop3A_199 : vector<16xf32> to vector<1x1x16xf32>
        tpu.vector_store %arg8[%parallel_loop3A_200, %parallel_loop3A_201, %parallel_loop3A_202], %parallel_loop3A_205 {strides = array<i32>} : memref<4x200x64xf32, #tpu.memory_space<vmem>>, vector<1x1x16xf32>,
      } {sc.loop_unroll_factor = 4 : i64, sc.parallel_access}
      %add3A_98 = arith.addi %mul3A_2, %scan3A_81 : i32
      %dma_start3A_99 = arith.constant 0 : i32
      %dma_start3A_100 = arith.constant 0 : i32
      %dma_start3A_101 = tpu.memref_slice %arg8[%rem3A_83, %dma_start3A_99, %dma_start3A_100] : memref<4x200x64xf32, #tpu.memory_space<vmem>> -> memref<1x200x64xf32, #tpu.memory_space<vmem>>
      %dma_start3A_102 = tpu.memref_squeeze %dma_start3A_101 : memref<1x200x64xf32, #tpu.memory_space<vmem>> -> memref<200x64xf32, #tpu.memory_space<vmem>>
      %dma_start3A_103 = arith.constant 0 : i32
      %dma_start3A_104 = arith.constant 0 : i32
      %dma_start3A_105 = tpu.memref_slice %arg5[%add3A_98, %dma_start3A_103, %dma_start3A_104] : memref<4096x200x128xf32, #tpu.memory_space<hbm>> -> memref<1x200x64xf32, #tpu.memory_space<hbm>>
      %dma_start3A_106 = tpu.memref_squeeze %dma_start3A_105 : memref<1x200x64xf32, #tpu.memory_space<hbm>> -> memref<200x64xf32, #tpu.memory_space<hbm>>
      %dma_start3A_107 = tpu.memref_slice %arg10[%rem3A_83] : memref<4x!tpu.dma_semaphore, #tpu.memory_space<semaphore_mem>> -> memref<1x!tpu.dma_semaphore, #tpu.memory_space<semaphore_mem>>
      %dma_start3A_108 = tpu.memref_squeeze %dma_start3A_107 : memref<1x!tpu.dma_semaphore, #tpu.memory_space<semaphore_mem>> -> memref<!tpu.dma_semaphore, #tpu.memory_space<semaphore_mem>>
      %dma_start3A_109 = arith.constant 0 : i32
      %dma_start3A_110 = arith.constant 0 : i32
      %dma_start3A_111 = tpu.memref_slice %arg5[%add3A_98, %dma_start3A_109, %dma_start3A_110] : memref<4096x200x128xf32, #tpu.memory_space<hbm>> -> memref<1x200x64xf32, #tpu.memory_space<hbm>>
      %dma_start3A_112 = tpu.memref_squeeze %dma_start3A_111 : memref<1x200x64xf32, #tpu.memory_space<hbm>> -> memref<200x64xf32, #tpu.memory_space<hbm>>
      %dma_start3A_113 = arith.constant 0 : i32
      %dma_start3A_114 = arith.constant 0 : i32
      %dma_start3A_115 = tpu.memref_slice %arg8[%rem3A_83, %dma_start3A_113, %dma_start3A_114] : memref<4x200x64xf32, #tpu.memory_space<vmem>> -> memref<1x200x64xf32, #tpu.memory_space<vmem>>
      %dma_start3A_116 = tpu.memref_squeeze %dma_start3A_115 : memref<1x200x64xf32, #tpu.memory_space<vmem>> -> memref<200x64xf32, #tpu.memory_space<vmem>>
      tpu.enqueue_dma source(%dma_start3A_116 : memref<200x64xf32, #tpu.memory_space<vmem>>) target(%dma_start3A_112 : memref<200x64xf32, #tpu.memory_space<hbm>>) target_semaphore(%dma_start3A_108 : memref<!tpu.dma_semaphore, #tpu.memory_space<semaphore_mem>>)
      %add3A_117 = arith.constant 2 : i32
      %add3A_118 = arith.addi %scan3A_81, %add3A_117 : i32
      %rem3A_119 = arith.constant 4 : i32
      %rem3A_120 = arith.remsi %add3A_118, %rem3A_119 : i32
      %ge3A = arith.constant 2 : i32
      %ge3A_121 = arith.cmpi sge, %scan3A_81, %ge3A : i32
      %convert_element_type3A = arith.extui %ge3A_121 : i1 to i32
      %cond3A = arith.constant 0 : i32
      %cond3A_122 = arith.cmpi ne, %convert_element_type3A, %cond3A : i32
      scf.if %cond3A_122 {
        %sub3A = arith.constant 2 : i32
        %sub3A_129 = arith.subi %scan3A_81, %sub3A : i32
        %add3A_130 = arith.addi %mul3A_2, %sub3A_129 : i32
        %dma_wait3A_131 = arith.constant 0 : i32
        %dma_wait3A_132 = arith.constant 0 : i32
        %dma_wait3A_133 = tpu.memref_slice %arg8[%rem3A_120, %dma_wait3A_131, %dma_wait3A_132] : memref<4x200x64xf32, #tpu.memory_space<vmem>> -> memref<1x200x64xf32, #tpu.memory_space<vmem>>
        %dma_wait3A_134 = tpu.memref_squeeze %dma_wait3A_133 : memref<1x200x64xf32, #tpu.memory_space<vmem>> -> memref<200x64xf32, #tpu.memory_space<vmem>>
        %dma_wait3A_135 = arith.constant 0 : i32
        %dma_wait3A_136 = arith.constant 0 : i32
        %dma_wait3A_137 = tpu.memref_slice %arg5[%add3A_130, %dma_wait3A_135, %dma_wait3A_136] : memref<4096x200x128xf32, #tpu.memory_space<hbm>> -> memref<1x200x64xf32, #tpu.memory_space<hbm>>
        %dma_wait3A_138 = tpu.memref_squeeze %dma_wait3A_137 : memref<1x200x64xf32, #tpu.memory_space<hbm>> -> memref<200x64xf32, #tpu.memory_space<hbm>>
        %dma_wait3A_139 = tpu.memref_slice %arg10[%rem3A_120] : memref<4x!tpu.dma_semaphore, #tpu.memory_space<semaphore_mem>> -> memref<1x!tpu.dma_semaphore, #tpu.memory_space<semaphore_mem>>
        %dma_wait3A_140 = tpu.memref_squeeze %dma_wait3A_139 : memref<1x!tpu.dma_semaphore, #tpu.memory_space<semaphore_mem>> -> memref<!tpu.dma_semaphore, #tpu.memory_space<semaphore_mem>>
        %dma_wait3A_141 = arith.constant 0 : i32
        %dma_wait3A_142 = arith.constant 0 : i32
        %dma_wait3A_143 = tpu.memref_slice %arg5[%add3A_130, %dma_wait3A_141, %dma_wait3A_142] : memref<4096x200x128xf32, #tpu.memory_space<hbm>> -> memref<1x200x64xf32, #tpu.memory_space<hbm>>
        %dma_wait3A_144 = tpu.memref_squeeze %dma_wait3A_143 : memref<1x200x64xf32, #tpu.memory_space<hbm>> -> memref<200x64xf32, #tpu.memory_space<hbm>>
        %dma_wait3A_145 = arith.constant 0 : i32
        %dma_wait3A_146 = arith.constant 0 : i32
        %dma_wait3A_147 = tpu.memref_slice %arg8[%rem3A_120, %dma_wait3A_145, %dma_wait3A_146] : memref<4x200x64xf32, #tpu.memory_space<vmem>> -> memref<1x200x64xf32, #tpu.memory_space<vmem>>
        %dma_wait3A_148 = tpu.memref_squeeze %dma_wait3A_147 : memref<1x200x64xf32, #tpu.memory_space<vmem>> -> memref<200x64xf32, #tpu.memory_space<vmem>>
        tpu.wait_dma2 semaphore(%dma_wait3A_140 : memref<!tpu.dma_semaphore, #tpu.memory_space<semaphore_mem>>) src(%dma_wait3A_148 : memref<200x64xf32, #tpu.memory_space<vmem>>) dst(%dma_wait3A_144 : memref<200x64xf32, #tpu.memory_space<hbm>>)
      } else {
      }
      %add3A_123 = arith.constant 2 : i32
      %add3A_124 = arith.addi %scan3A_81, %add3A_123 : i32
      %lt3A = arith.constant 128 : i32
      %lt3A_125 = arith.cmpi slt, %add3A_124, %lt3A : i32
      %convert_element_type3A_126 = arith.extui %lt3A_125 : i1 to i32
      %cond3A_127 = arith.constant 0 : i32
      %cond3A_128 = arith.cmpi ne, %convert_element_type3A_126, %cond3A_127 : i32
      scf.if %cond3A_128 {
        %add3A_129 = arith.constant 2 : i32
        %add3A_130 = arith.addi %scan3A_81, %add3A_129 : i32
        %dma_start3A_131 = arith.constant 0 : i32
        %dma_start3A_132 = arith.constant 0 : i32
        %dma_start3A_133 = tpu.memref_slice %arg8[%rem3A_120, %dma_start3A_131, %dma_start3A_132] : memref<4x200x64xf32, #tpu.memory_space<vmem>> -> memref<1x200x64xf32, #tpu.memory_space<vmem>>
        %dma_start3A_134 = tpu.memref_squeeze %dma_start3A_133 : memref<1x200x64xf32, #tpu.memory_space<vmem>> -> memref<200x64xf32, #tpu.memory_space<vmem>>
        %dma_start3A_135 = arith.constant 0 : i32
        %dma_start3A_136 = tpu.memref_slice %arg6[%add3A_130, %dma_start3A_135] : memref<128x200xi32, #tpu.memory_space<vmem>> -> memref<1x200xi32, #tpu.memory_space<vmem>>
        %dma_start3A_137 = tpu.memref_squeeze %dma_start3A_136 : memref<1x200xi32, #tpu.memory_space<vmem>> -> memref<200xi32, #tpu.memory_space<vmem>>
        %dma_start3A_138 = arith.constant 0 : i32
        %dma_start3A_139 = arith.constant 0 : i32
        %dma_start3A_140 = tpu.memref_slice %arg3[%dma_start3A_138, %dma_start3A_139] : memref<1000000x64xf32, #tpu.memory_space<hbm>> -> memref<1000000x64xf32, #tpu.memory_space<hbm>>
        %dma_start3A_141 = tpu.memref_slice %arg9[%rem3A_120] : memref<4x!tpu.dma_semaphore, #tpu.memory_space<semaphore_mem>> -> memref<1x!tpu.dma_semaphore, #tpu.memory_space<semaphore_mem>>
        %dma_start3A_142 = tpu.memref_squeeze %dma_start3A_141 : memref<1x!tpu.dma_semaphore, #tpu.memory_space<semaphore_mem>> -> memref<!tpu.dma_semaphore, #tpu.memory_space<semaphore_mem>>
        tpu.enqueue_indirect_dma source(%dma_start3A_140 : memref<1000000x64xf32, #tpu.memory_space<hbm>>) target(%dma_start3A_134 : memref<200x64xf32, #tpu.memory_space<vmem>>) offsets(%dma_start3A_137 : memref<200xi32, #tpu.memory_space<vmem>>) semaphore(%dma_start3A_142 : memref<!tpu.dma_semaphore, #tpu.memory_space<semaphore_mem>>)
      } else {
      }
    }
    %scan3A_36 = arith.constant 128 : i32
    %rem3A = arith.constant 126 : i32
    %rem3A_37 = arith.constant 4 : i32
    %rem3A_38 = arith.remsi %rem3A, %rem3A_37 : i32
    %add3A_39 = arith.constant 126 : i32
    %add3A_40 = arith.addi %mul3A_2, %add3A_39 : i32
    %dma_wait3A = arith.constant 0 : i32
    %dma_wait3A_41 = arith.constant 0 : i32
    %dma_wait3A_42 = tpu.memref_slice %arg8[%rem3A_38, %dma_wait3A, %dma_wait3A_41] : memref<4x200x64xf32, #tpu.memory_space<vmem>> -> memref<1x200x64xf32, #tpu.memory_space<vmem>>
    %dma_wait3A_43 = tpu.memref_squeeze %dma_wait3A_42 : memref<1x200x64xf32, #tpu.memory_space<vmem>> -> memref<200x64xf32, #tpu.memory_space<vmem>>
    %dma_wait3A_44 = arith.constant 0 : i32
    %dma_wait3A_45 = arith.constant 0 : i32
    %dma_wait3A_46 = tpu.memref_slice %arg5[%add3A_40, %dma_wait3A_44, %dma_wait3A_45] : memref<4096x200x128xf32, #tpu.memory_space<hbm>> -> memref<1x200x64xf32, #tpu.memory_space<hbm>>
    %dma_wait3A_47 = tpu.memref_squeeze %dma_wait3A_46 : memref<1x200x64xf32, #tpu.memory_space<hbm>> -> memref<200x64xf32, #tpu.memory_space<hbm>>
    %dma_wait3A_48 = tpu.memref_slice %arg10[%rem3A_38] : memref<4x!tpu.dma_semaphore, #tpu.memory_space<semaphore_mem>> -> memref<1x!tpu.dma_semaphore, #tpu.memory_space<semaphore_mem>>
    %dma_wait3A_49 = tpu.memref_squeeze %dma_wait3A_48 : memref<1x!tpu.dma_semaphore, #tpu.memory_space<semaphore_mem>> -> memref<!tpu.dma_semaphore, #tpu.memory_space<semaphore_mem>>
    %dma_wait3A_50 = arith.constant 0 : i32
    %dma_wait3A_51 = arith.constant 0 : i32
    %dma_wait3A_52 = tpu.memref_slice %arg5[%add3A_40, %dma_wait3A_50, %dma_wait3A_51] : memref<4096x200x128xf32, #tpu.memory_space<hbm>> -> memref<1x200x64xf32, #tpu.memory_space<hbm>>
    %dma_wait3A_53 = tpu.memref_squeeze %dma_wait3A_52 : memref<1x200x64xf32, #tpu.memory_space<hbm>> -> memref<200x64xf32, #tpu.memory_space<hbm>>
    %dma_wait3A_54 = arith.constant 0 : i32
    %dma_wait3A_55 = arith.constant 0 : i32
    %dma_wait3A_56 = tpu.memref_slice %arg8[%rem3A_38, %dma_wait3A_54, %dma_wait3A_55] : memref<4x200x64xf32, #tpu.memory_space<vmem>> -> memref<1x200x64xf32, #tpu.memory_space<vmem>>
    %dma_wait3A_57 = tpu.memref_squeeze %dma_wait3A_56 : memref<1x200x64xf32, #tpu.memory_space<vmem>> -> memref<200x64xf32, #tpu.memory_space<vmem>>
    tpu.wait_dma2 semaphore(%dma_wait3A_49 : memref<!tpu.dma_semaphore, #tpu.memory_space<semaphore_mem>>) src(%dma_wait3A_57 : memref<200x64xf32, #tpu.memory_space<vmem>>) dst(%dma_wait3A_53 : memref<200x64xf32, #tpu.memory_space<hbm>>)
    %rem3A_58 = arith.constant 127 : i32
    %rem3A_59 = arith.constant 4 : i32
    %rem3A_60 = arith.remsi %rem3A_58, %rem3A_59 : i32
    %add3A_61 = arith.constant 127 : i32
    %add3A_62 = arith.addi %mul3A_2, %add3A_61 : i32
    %dma_wait3A_63 = arith.constant 0 : i32
    %dma_wait3A_64 = arith.constant 0 : i32
    %dma_wait3A_65 = tpu.memref_slice %arg8[%rem3A_60, %dma_wait3A_63, %dma_wait3A_64] : memref<4x200x64xf32, #tpu.memory_space<vmem>> -> memref<1x200x64xf32, #tpu.memory_space<vmem>>
    %dma_wait3A_66 = tpu.memref_squeeze %dma_wait3A_65 : memref<1x200x64xf32, #tpu.memory_space<vmem>> -> memref<200x64xf32, #tpu.memory_space<vmem>>
    %dma_wait3A_67 = arith.constant 0 : i32
    %dma_wait3A_68 = arith.constant 0 : i32
    %dma_wait3A_69 = tpu.memref_slice %arg5[%add3A_62, %dma_wait3A_67, %dma_wait3A_68] : memref<4096x200x128xf32, #tpu.memory_space<hbm>> -> memref<1x200x64xf32, #tpu.memory_space<hbm>>
    %dma_wait3A_70 = tpu.memref_squeeze %dma_wait3A_69 : memref<1x200x64xf32, #tpu.memory_space<hbm>> -> memref<200x64xf32, #tpu.memory_space<hbm>>
    %dma_wait3A_71 = tpu.memref_slice %arg10[%rem3A_60] : memref<4x!tpu.dma_semaphore, #tpu.memory_space<semaphore_mem>> -> memref<1x!tpu.dma_semaphore, #tpu.memory_space<semaphore_mem>>
    %dma_wait3A_72 = tpu.memref_squeeze %dma_wait3A_71 : memref<1x!tpu.dma_semaphore, #tpu.memory_space<semaphore_mem>> -> memref<!tpu.dma_semaphore, #tpu.memory_space<semaphore_mem>>
    %dma_wait3A_73 = arith.constant 0 : i32
    %dma_wait3A_74 = arith.constant 0 : i32
    %dma_wait3A_75 = tpu.memref_slice %arg5[%add3A_62, %dma_wait3A_73, %dma_wait3A_74] : memref<4096x200x128xf32, #tpu.memory_space<hbm>> -> memref<1x200x64xf32, #tpu.memory_space<hbm>>
    %dma_wait3A_76 = tpu.memref_squeeze %dma_wait3A_75 : memref<1x200x64xf32, #tpu.memory_space<hbm>> -> memref<200x64xf32, #tpu.memory_space<hbm>>
    %dma_wait3A_77 = arith.constant 0 : i32
    %dma_wait3A_78 = arith.constant 0 : i32
    %dma_wait3A_79 = tpu.memref_slice %arg8[%rem3A_60, %dma_wait3A_77, %dma_wait3A_78] : memref<4x200x64xf32, #tpu.memory_space<vmem>> -> memref<1x200x64xf32, #tpu.memory_space<vmem>>
    %dma_wait3A_80 = tpu.memref_squeeze %dma_wait3A_79 : memref<1x200x64xf32, #tpu.memory_space<vmem>> -> memref<200x64xf32, #tpu.memory_space<vmem>>
    tpu.wait_dma2 semaphore(%dma_wait3A_72 : memref<!tpu.dma_semaphore, #tpu.memory_space<semaphore_mem>>) src(%dma_wait3A_80 : memref<200x64xf32, #tpu.memory_space<vmem>>) dst(%dma_wait3A_76 : memref<200x64xf32, #tpu.memory_space<hbm>>)
    return
  }
}

</mosaic_0001>

<sc_bundles>
// kernel: kernel.3.cloned.1.call-start
scs
__scs_entry_jumppad:
0x0: {  	(pc) =	sbr.rel $0x88, $3  }
0x1: {  	(tag) =	ssettag $0x0;
	lr =	simm.s32 $0x1  }
0x2: {  	[smem:$0x3F9E] =	sst lr;
	_ =	strace $0xD0000000  }
0x3: {  	_ = 	snop  }
0x4: {  	_ = 	snop  }
0x5: {  	_ = 	snop  }
0x6: {  	_ = 	snop  }
0x7: {  	_ = 	snop  }
__scs_overlays_trampoline_lowered:
0x8: {  	[smem:$0x3FAD] =	sst s0  }
0x9: {  	[smem:$0x3FAE] =	sst s1  }
0xa: {  	[smem:$0x3FAF] =	sst s2  }
0xb: {  	[smem:$0x3FB0] =	sst s3  }
0xc: {  	[smem:$0x3FB1] =	sst s4  }
0xd: {  	[smem:$0x3FB2] =	sst s5  }
0xe: {  	[smem:$0x3FB3] =	sst s6  }
0xf: {  	[smem:$0x3FB4] =	sst s7  }
0x10: {  	[smem:$0x3FB5] =	sst s8  }
0x11: {  	[smem:$0x3FB6] =	sst s9;
	s0 =	simm.s32 @!p0 $0x0  }
0x12: {  	s1 =	sld [smem:$0x3F9C];
	s0 =	simm.s32 @p0 $0x1  }
0x13: {  	[smem:$0x3FB7] =	sst s0;
	s0 =	simm.s32 @!p1 $0x0  }
0x14: {  	s2 =	sld [smem:$0x3F9B];
	s0 =	simm.s32 @p1 $0x1  }
0x15: {  	[smem:$0x3FB8] =	sst s0;
	s0 =	simm.s32 @!p2 $0x0  }
0x16: {  	s3 =	sld [smem:$0x3FDB];
	s0 =	simm.s32 @p2 $0x1  }
0x17: {  	s4 =	simm.s32 $0x1BF5;
	[smem:$0x3FBA] =	sst s0  }
0x18: {  	s0 =	sld [smem:$0x3F9D];
	_ =	swait.ge [sflag:s4], $0x0  }
0x19: {  	s7 =	sld [smem:$0x3F9E]  }
0x1a: {  	s8 =	sadd.s32 $0xFFFFE003, lr  }
0x1b: {  	s9 =	sadd.s32 $0xFFFFFEF7, lr;
	s5 =	simm.s32 $0xFFFFFFFF;
	p2 =	slt.u32 s8, $0xFFFFF086  }
0x1c: {  	p1 =	slt.u32 s9, $0xF7A;
	s5 =	simm.s32 @!p2 $0x0  }
0x1d: {  	s5 =	simm.s32 @p1 $0x1;
	p0 =	seq.s32 s7, s2  }
0x1e: {  	s7 =	smul.u32 @!p0 $0xF7A, s2;
	p2 =	seq.s32 @!p0 s5, $0x0  }
0x1f: {  	s9 =	smul.u32 $0xF7A, s1;
	s8 =	simm.s32 @!p0 $0x1BF5;
	p2 =	por !p2, p0  }
0x20: {  	[sflag:s8] =	ssyncset.s32 @!p0 $0xFFFFF086;
	s6 =	sadd.s32 @!p0 s3, s7;
	s7 =	simm.s32 @!p0 $0x108  }
0x21: {  	s3 =	sadd.s32 s3, s9;
	s6 =	sadd.s32 @!p0 $0x88, s6;
	s7 =	simm.s32 @p2 $0x1082  }
0x22: {  	[simem:s7], [sflag:s8] =	dma.local @!p0 [hbm:s6], $0xF7A  }
0x23: {  	s9 =	sor.u32 $0xD0000000, s2;
	s6 =	simm.s32 $0x108;
	_ =	swait.ge @!p0 [sflag:s8], $0x0  }
0x24: {  	s3 =	sadd.s32 $0x88, s3;
	s6 =	simm.s32 @!p1 $0x1082;
	[sflag:s4] =	ssyncset.s32 $0xFFFFF086  }
0x25: {  	[simem:s6], [sflag:s4] =	dma.local [hbm:s3], $0xF7A  }
0x26: {  	[smem:$0x3F9E] =	sst s1;
	(tag) =	ssettag s2;
	_ =	strace s9  }
0x27: {  	s1 =	sld [smem:$0x3FAE]  }
0x28: {  	s2 =	sld [smem:$0x3FAF]  }
0x29: {  	s4 =	sld [smem:$0x3FB1]  }
0x2a: {  	p0 =	seq.s32 s5, $0x0;
	s5 =	sld [smem:$0x3FB2]  }
0x2b: {  	s6 =	sld [smem:$0x3FB3]  }
0x2c: {  	s7 =	sld [smem:$0x3FB4]  }
0x2d: {  	s3 =	simm.s32 $0x108;
	s8 =	sld [smem:$0x3FB5]  }
0x2e: {  	s3 =	simm.s32 @!p0 $0x1082;
	s9 =	sld [smem:$0x3FB6]  }
0x2f: {  	lr =	sadd.s32 s0, s3;
	s0 =	sld [smem:$0x3FAD]  }
0x30: {  	s3 =	sld [smem:$0x3FB0]  }
0x31: {  	[smem:$0x3FB9] =	sst s10  }
0x32: {  	s10 =	sld [smem:$0x3FB7];
	_ =	sdelay $0x3  }
0x33: {  	p0 =	seq.s32 s10, $0x1;
	s10 =	sld [smem:$0x3FB9];
	_ =	sdelay $0x3  }
0x34: {  	[smem:$0x3FB9] =	sst s10  }
0x35: {  	s10 =	sld [smem:$0x3FB8];
	_ =	sdelay $0x3  }
0x36: {  	p1 =	seq.s32 s10, $0x1;
	s10 =	sld [smem:$0x3FB9];
	_ =	sdelay $0x3  }
0x37: {  	[smem:$0x3FB9] =	sst s10  }
0x38: {  	s10 =	sld [smem:$0x3FBA]  }
0x39: {  	_ = 	snop;
	(pc) =	sbr.ind lr, $3  }
0x3a: {  	_ = 	snop  }
0x3b: {  	_ = 	snop  }
0x3c: {  	p2 =	seq.s32 s10, $0x1;
	s10 =	sld [smem:$0x3FB9]  }
0x3d: {  	_ =	shalt  }
0x3e: {  	_ =	shalt  }
0x3f: {  	_ =	shalt  }
0x40: {  	_ =	shalt  }
0x41: {  	_ =	shalt  }
0x42: {  	_ =	shalt  }
0x43: {  	_ =	shalt  }
0x44: {  	_ =	shalt  }
0x45: {  	_ =	shalt  }
0x46: {  	_ =	shalt  }
0x47: {  	_ =	shalt  }
0x48: {  	_ =	shalt  }
0x49: {  	_ =	shalt  }
0x4a: {  	_ =	shalt  }
0x4b: {  	_ =	shalt  }
0x4c: {  	_ =	shalt  }
0x4d: {  	_ =	shalt  }
0x4e: {  	_ =	shalt  }
0x4f: {  	_ =	shalt  }
0x50: {  	_ =	shalt  }
0x51: {  	_ =	shalt  }
0x52: {  	_ =	shalt  }
0x53: {  	_ =	shalt  }
0x54: {  	_ =	shalt  }
0x55: {  	_ =	shalt  }
0x56: {  	_ =	shalt  }
0x57: {  	_ =	shalt  }
0x58: {  	_ =	shalt  }
0x59: {  	_ =	shalt  }
0x5a: {  	_ =	shalt  }
0x5b: {  	_ =	shalt  }
0x5c: {  	_ =	shalt  }
0x5d: {  	_ =	shalt  }
0x5e: {  	_ =	shalt  }
0x5f: {  	_ =	shalt  }
0x60: {  	_ =	shalt  }
0x61: {  	_ =	shalt  }
0x62: {  	_ =	shalt  }
0x63: {  	_ =	shalt  }
0x64: {  	_ =	shalt  }
0x65: {  	_ =	shalt  }
0x66: {  	_ =	shalt  }
0x67: {  	_ =	shalt  }
0x68: {  	_ =	shalt  }
0x69: {  	_ =	shalt  }
0x6a: {  	_ =	shalt  }
0x6b: {  	_ =	shalt  }
0x6c: {  	_ =	shalt  }
0x6d: {  	_ =	shalt  }
0x6e: {  	_ =	shalt  }
0x6f: {  	_ =	shalt  }
0x70: {  	_ =	shalt  }
0x71: {  	_ =	shalt  }
0x72: {  	_ =	shalt  }
0x73: {  	_ =	shalt  }
0x74: {  	_ =	shalt  }
0x75: {  	_ =	shalt  }
0x76: {  	_ =	shalt  }
0x77: {  	_ =	shalt  }
0x78: {  	_ =	shalt  }
0x79: {  	_ =	shalt  }
0x7a: {  	_ =	shalt  }
0x7b: {  	_ =	shalt  }
0x7c: {  	_ =	shalt  }
0x7d: {  	_ =	shalt  }
0x7e: {  	_ =	shalt  }
0x7f: {  	_ =	shalt  }
0x80: {  	_ =	shalt  }
0x81: {  	_ =	shalt  }
0x82: {  	_ =	shalt  }
0x83: {  	_ =	shalt  }
0x84: {  	_ =	shalt  }
0x85: {  	_ =	shalt  }
0x86: {  	_ =	shalt  }
0x87: {  	_ =	shalt  }
.Lfunc_end0:
.L_simem_size_0:
called_computation.1_lowered:
.L_overlay_start_0:
0x88: {  	s2 =	sld [smem:$0x3FD9]  }
0x89: {  	s3 =	sld [smem:$0x3FFE];
	_ =	sdelay $0x1  }
0x8a: {  	s1 =	srdreg.scid  }
0x8b: {  	s0 =	sand.u32 $0x1, s1  }
0x8c: {  	s17 =	sshll.u32 s0, $0xA;
	s2 =	sadd.s32 s3, s2  }
0x8d: {  	s2 =	sadd.s32 s2, s17  }
0x8e: {  	[smem:$0x3FC5] =	sst s2  }
0x8f: {  	_ = 	snop  }
0x90: {  	s2 =	sld [smem:$0x3FD0];
	(tm) =	ssettm $0x1  }
0x91: {  	s18 =	sld [smem:$0x3FFB];
	_ =	sdelay $0x3  }
0x92: {  	_ =	strace s18  }
0x93: {  	s3 =	sld [smem:$0x3FFC];
	_ =	sdelay $0x3  }
0x94: {  	_ =	strace s3  }
0x95: {  	s3 =	sld [smem:$0x3FFD];
	_ =	sdelay $0x3  }
0x96: {  	_ =	strace s3  }
0x97: {  	_ =	strace $0x8FFFFFFF  }
0x98: {  	s19 =	sld [smem:$0x3FDB];
	_ =	sdelay $0x1  }
0x99: {  	s4 =	simm.s32 $_scs_section_size  }
0x9a: {  	s5 =	simm.s32 $_size__tile_overlayer_lowered;
	s6 =	simm.s32 $_tile_overlayer_lowered  }
0x9b: {  	s22 =	simm.s32 $0x1BFF;
	s21 =	sshll.u32 s6, $0x1;
	s3 =	sadd.s32 s4, s19  }
0x9c: {  	s7 =	simm.s32 $0x0;
	s20 =	sshll.u32 s5, $0x1;
	s5 =	sadd.s32 s21, s3  }
0x9d: {  	[timem:s7], [sflag:s22] =	dma.local [hbm:s5], s20  }
0x9e: {  	_ =	swait.ge [sflag:s22], s20  }
0x9f: {  	s4 =	ssub.s32 $0x0, s20;
	[sflag:s22] =	ssyncset.done $0x0  }
0xa0: {  	[sflag:s22] =	ssyncadd.s32 s4;
	_ =	sdelay $0x1  }
0xa1: {  	s23 =	simm.s32 $0x1B8B  }
0xa2: {  	_ =	swait.ge [sflag:s23], $0x1  }
0xa3: {  	[sflag:s23] =	ssyncset.done $0x0  }
0xa4: {  	s25 =	simm.s32 $0x1B8E;
	s24 =	sld [smem:$0x3FFE];
	[sflag:s23] =	ssyncadd.s32 $0xFFFFFFFF  }
0xa5: {  	s26 =	simm.s32 $execute0_lowered;
	[smem:$0x3FD2] =	sst s25  }
0xa6: {  	s5 =	sshll.u32 s26, $0x1;
	_ =	strace $0x80000046;
	[dreg:$0x1] =	wrdreg $0xFFFFFFFF  }
0xa7: {  	s28 =	simm.s32 $_size_execute0_lowered;
	s3 =	sadd.s32 s3, s5;
	[dreg:$0x0] =	wrdreg $0x0  }
0xa8: {  	s5 =	sshll.u32 s28, $0x1;
	[dreg:$0x2] =	wrdreg s3  }
0xa9: {  	[dreg:$0x3] =	wrdreg s5  }
0xaa: {  	[dreg:$0x4] =	wrdreg $0xC0  }
0xab: {  	_ =	task [dreg:s7], $0x5FFFF  }
0xac: {  	[dreg:$0x1] =	wrdreg $0xFFFFFFFF  }
0xad: {  	[dreg:$0x0] =	wrdreg $0x60  }
0xae: {  	[dreg:$0x2] =	wrdreg s2  }
0xaf: {  	[dreg:$0x3] =	wrdreg s24  }
0xb0: {  	[dreg:$0x4] =	wrdreg $0x9  }
0xb1: {  	_ =	task.clear_ibuf [dreg:s7], $0x5FFFF;
	_ =	strace $0x90000046  }
0xb2: {  	s29 =	simm.s32 $0x9;
	_ =	strace $0x80000048  }
0xb3: {  	_ =	swait.ge [sflag:s29], $0x1  }
0xb4: {  	[sflag:s29] =	ssyncadd.s32 $0xFFFFFFFF  }
0xb5: {  	_ =	strace $0x90000048  }
0xb6: {  	_ =	sfence  }
0xb7: {  	s30 =	sld [smem:$0x0];
	_ =	sdelay $0x2  }
0xb8: {  	s31 =	sshll.u32 s1, $0xD;
	s1 =	sshrl.u32 s1, $0x2  }
0xb9: {  	s3 =	sand.u32 $0x4000, s31;
	s1 =	sadd.s32 s1, s30  }
0xba: {  	s0 =	sor.u32 s3, s0;
	s1 =	sshll.u32 s1, $0x11  }
0xbb: {  	s0 =	sor.u32 s1, s0  }
0xbc: {  	s0 =	sadd.s32 $0x8F2B, s0  }
0xbd: {  	[sflag:s0] =	ssyncadd.remote.s32 $0x1  }
0xbe: {  	_ =	sfence.sel $0xFFFF  }
0xbf: {  	[dreg:$0x0] =	wrdreg $0xFFFFFFFF;
	(pc) =	sbr.abs _section_cstart, $3  }
0xc0: {  	[dreg:$0x1] =	wrdreg $0xFFFFFFFF  }
0xc1: {  	_ =	task.clear_ibuf [dreg:s7], $0x2FFFF;
	_ =	strace $0x9FFFFFFF  }
0xc2: {  	(tm) =	ssettm $0x7FFFFFFF  }
0xc3: {  	_ =	shalt  }
tec
execute0_lowered:
.L_overlay_start_1:
0x0: {  	(tag) =	ssettag $0x1  }
0x1: {  	s7 =	rddreg [dreg:$0x0]  }
0x2: {  	s6 =	rddreg [dreg:$0x1]  }
0x3: {  	s0 =	rddreg [dreg:$0x2];
	s3 =	srdreg.scid  }
0x4: {  	s2 =	simm.s32 $0x0;
	s1 =	stileid.u32;
	s11 =	simm.s32 $0xC8  }
0x5: {  	s12 =	simm.s32 $0x9600;
	s13 =	simm.s32 $0xC800;
	s14 =	simm.s32 $0x40  }
0x6: {  	s15 =	simm.s32 $0x80;
	s16 =	simm.s32 $0x7;
	s17 =	simm.s32 $0x8  }
0x7: {  	s18 =	simm.s32 $0x0;
	s3 =	sand.u32 $0x1, s3;
	[smem:$0x7FF] =	sst s2  }
0x8: {  	s4 =	sshll.u32 s1, $0x8;
	s5 =	sshll.u32 s3, $0x7;
	_ =	strace $0x80000047  }
0x9: {  	s8 =	ssub.s32 $0x2, s3;
	s3 =	sor.u32 s5, s4;
	s4 =	sadd.s32 $0xF43000, s6  }
0xa: {  	s9 =	sshrl.u32 s8, $0x1;
	s5 =	sadd.s32 $0xC00, s6;
	s10 =	smul.u32 $0x19, s3  }
0xb: {  	s6 =	sadd.s32 $0x1400, s6;
	s8 =	ssub.s32 s8, s9;
	s9 =	simm.s32 $0x9  }
0xc: {  	s8 =	smax.u32 s8, $0x1;
	s7 =	sadd.s32 s7, s10;
	s10 =	simm.s32 $0x6400  }
.LBB2_1:
0xd: {  	[tilespmem:s2], [sflag:$0x9] =	stream.linear.gather [hbm4b:s7+s2], $0x6400, $0x38;
	[tilespmem:$0x15E00] =	vst v63  }
0xe: {  	_ =	swait.ge [sflag:s9], $0x6400  }
0xf: {  	[sflag:s9] =	ssyncset.done $0x0  }
0x10: {  	[sflag:s9] =	ssyncadd.s32 $0xFFFF9C00  }
0x11: {  	[tilespmem:s10], [sflag:$0x9] =	stream.linear.gather [hbm4b:s5+s2], $0x3200, $0x38;
	[tilespmem:$0x15E00] =	vst v63  }
0x12: {  	_ =	swait.ge [sflag:s9], $0x3200  }
0x13: {  	[sflag:s9] =	ssyncset.done $0x0  }
0x14: {  	[sflag:s9] =	ssyncadd.s32 $0xFFFFCE00  }
0x15: {  	[tilespmem:s12], [sflag:$0x1] =	stream.indirect.gather [hbm4b:s4+s11], $0x40, s2, s11, $0xb8;
	[tilespmem:$0x15E00] =	vst v63  }
0x16: {  	s19 =	simm.s32 $0x0;
	s20 =	simm.s32 $0x0  }
0x17: {  	[tilespmem:s13], [sflag:$0x2] =	stream.indirect.gather [hbm4b:s4+s11], $0x40, s11, s11, $0xb8;
	[tilespmem:$0x15E00] =	vst v63  }
.LBB2_2:
0x18: {  	s22 =	sand.u32 $0x3, s19;
	s21 =	sand.u32 $0x3, s20  }
0x19: {  	s22 =	smul.u32 $0xC800, s22;
	s23 =	sadd.s32 $0x1, s21  }
0x1a: {  	_ =	swait.ge [sflag:s23], $0x3200  }
0x1b: {  	s22 =	sshrl.u32 s22, $0x2;
	[sflag:s23] =	ssyncset.done $0x0  }
0x1c: {  	s22 =	sadd.s32 $0x9680, s22;
	[sflag:s23] =	ssyncadd.s32 $0xFFFFCE00  }
0x1d: {  	v0 =	vld [tilespmem:s22+$0x40]  }
0x1e: {  	s25 =	simm.s32 $0x6480;
	v1 =	vld [tilespmem:s22+$0xFFFFFFC0]  }
0x1f: {  	v2 =	vld [tilespmem:s25+$0x40]  }
0x20: {  	v3 =	vld [tilespmem:s22+$0xFFFFFF80]  }
0x21: {  	v4 =	vld [tilespmem:s22+$0x0]  }
0x22: {  	v5 =	vld [tilespmem:s25+$0xFFFFFF80]  }
0x23: {  	v6 =	vld [tilespmem:s25+$0xFFFFFFC0]  }
0x24: {  	v7 =	vld [tilespmem:s25+$0x0]  }
0x25: {  	s24 =	simm.s32 $0x6580;
	v8 =	vld [tilespmem:s22+$0xFFFFFF90]  }
0x26: {  	v11 =	vld [tilespmem:s24+$0x40];
	v0 =	vmul.f32 $8.000000000e+00, v0  }
0x27: {  	v14 =	vld [tilespmem:s24+$0xFFFFFF80]  }
0x28: {  	v15 =	vld [tilespmem:s24+$0xFFFFFFC0];
	v3 =	vmul.f32 $8.000000000e+00, v3;
	v1 =	vmul.f32 $8.000000000e+00, v1;
	v0 =	vadd.f32 v2, v0  }
0x29: {  	v2 =	vld [tilespmem:s22+$0x50]  }
0x2a: {  	v3 =	vadd.f32 v5, v3;
	v1 =	vadd.f32 v6, v1;
	v5 =	vld [tilespmem:s22+$0xFFFFFFD0];
	[tilespmem:s22+$0x40] =	vst v0  }
0x2b: {  	v4 =	vmul.f32 $8.000000000e+00, v4;
	v0 =	vld [tilespmem:s25+$0x50]  }
0x2c: {  	v6 =	vld [tilespmem:s22+$0x10];
	[tilespmem:s22+$0xFFFFFFC0] =	vst v1  }
0x2d: {  	[tilespmem:s22+$0xFFFFFF80] =	vst v3;
	v1 =	vadd.f32 v7, v4;
	v4 =	vld [tilespmem:s25+$0xFFFFFFD0]  }
0x2e: {  	v3 =	vld [tilespmem:s25+$0xFFFFFF90];
	v2 =	vmul.f32 $8.000000000e+00, v2  }
0x2f: {  	v16 =	vld [tilespmem:s24+$0x0];
	[tilespmem:s22+$0x0] =	vst v1  }
0x30: {  	s23 =	sadd.s32 $0x100, s22;
	v5 =	vmul.f32 $8.000000000e+00, v5;
	v0 =	vadd.f32 v0, v2;
	v2 =	vmul.f32 $8.000000000e+00, v8;
	v8 =	vld [tilespmem:s25+$0x10]  }
0x31: {  	v10 =	vld [tilespmem:s23+$0xFFFFFFC0]  }
0x32: {  	v12 =	vld [tilespmem:s23+$0xFFFFFF80];
	v4 =	vadd.f32 v4, v5  }
0x33: {  	v5 =	vmul.f32 $8.000000000e+00, v6;
	v2 =	vadd.f32 v3, v2;
	v3 =	vld [tilespmem:s22+$0xFFFFFFE0]  }
0x34: {  	v13 =	vld [tilespmem:s23+$0x0];
	[tilespmem:s22+$0xFFFFFFD0] =	vst v4  }
0x35: {  	v4 =	vadd.f32 v8, v5;
	v5 =	vld [tilespmem:s25+$0xFFFFFFE0]  }
0x36: {  	v17 =	vld [tilespmem:s23+$0xFFFFFF90]  }
0x37: {  	v54 =	vld [tilespmem:s23+$0xFFFFFFD0]  }
0x38: {  	v55 =	vld [tilespmem:s23+$0x10];
	v3 =	vmul.f32 $8.000000000e+00, v3  }
0x39: {  	v56 =	vld [tilespmem:s23+$0xFFFFFFA0]  }
0x3a: {  	v57 =	vld [tilespmem:s23+$0x60];
	v12 =	vmul.f32 $8.000000000e+00, v12;
	v3 =	vadd.f32 v5, v3  }
0x3b: {  	v60 =	vld [tilespmem:s23+$0xFFFFFFE0];
	v13 =	vmul.f32 $8.000000000e+00, v13  }
0x3c: {  	v12 =	vadd.f32 v14, v12;
	[tilespmem:s22+$0xFFFFFFE0] =	vst v3;
	v3 =	vld [tilespmem:s23+$0x40]  }
0x3d: {  	v13 =	vadd.f32 v16, v13;
	v7 =	vld [tilespmem:s22+$0xFFFFFFA0]  }
0x3e: {  	[tilespmem:s23+$0xFFFFFF80] =	vst v12;
	v1 =	vld [tilespmem:s22+$0x60]  }
0x3f: {  	[tilespmem:s23+$0x0] =	vst v13;
	v12 =	vld [tilespmem:s24+$0xFFFFFF90]  }
0x40: {  	v58 =	vld [tilespmem:s24+$0x10]  }
0x41: {  	v6 =	vld [tilespmem:s22+$0x20];
	[tilespmem:s22+$0x50] =	vst v0;
	v3 =	vmul.f32 $8.000000000e+00, v3  }
0x42: {  	v0 =	vld [tilespmem:s25+$0x60];
	[tilespmem:s22+$0xFFFFFF90] =	vst v2  }
0x43: {  	v2 =	vld [tilespmem:s25+$0xFFFFFFA0];
	v3 =	vadd.f32 v11, v3  }
0x44: {  	v11 =	vld [tilespmem:s23+$0x50]  }
0x45: {  	v1 =	vmul.f32 $8.000000000e+00, v1;
	v8 =	vld [tilespmem:s22+$0xFFFFFFB0];
	[tilespmem:s23+$0x40] =	vst v3  }
0x46: {  	v3 =	vmul.f32 $8.000000000e+00, v10;
	v10 =	vld [tilespmem:s24+$0x50]  }
0x47: {  	[tilespmem:s22+$0x10] =	vst v4;
	v4 =	vld [tilespmem:s22+$0x70];
	v0 =	vadd.f32 v0, v1;
	v1 =	vmul.f32 $8.000000000e+00, v7  }
0x48: {  	v7 =	vld [tilespmem:s25+$0x20];
	v3 =	vadd.f32 v15, v3  }
0x49: {  	v1 =	vadd.f32 v2, v1;
	v2 =	vld [tilespmem:s22+$0xFFFFFFF0];
	v11 =	vmul.f32 $8.000000000e+00, v11  }
0x4a: {  	v5 =	vld [tilespmem:s22+$0x30];
	[tilespmem:s23+$0xFFFFFFC0] =	vst v3  }
0x4b: {  	[tilespmem:s22+$0x60] =	vst v0;
	v3 =	vld [tilespmem:s24+$0xFFFFFFD0];
	v10 =	vadd.f32 v10, v11  }
0x4c: {  	v0 =	vld [tilespmem:s25+$0x70];
	[tilespmem:s22+$0xFFFFFFA0] =	vst v1  }
0x4d: {  	v1 =	vld [tilespmem:s25+$0xFFFFFFB0];
	v11 =	vmul.f32 $8.000000000e+00, v17;
	[tilespmem:s23+$0x50] =	vst v10  }
0x4e: {  	v10 =	vmul.f32 $8.000000000e+00, v54;
	v59 =	vld [tilespmem:s24+$0x60]  }
0x4f: {  	v9 =	vld [tilespmem:s25+$0xFFFFFFF0];
	v11 =	vadd.f32 v12, v11  }
0x50: {  	v15 =	vmul.f32 $8.000000000e+00, v55;
	v3 =	vadd.f32 v3, v10;
	v10 =	vld [tilespmem:s23+$0x20]  }
0x51: {  	v13 =	vmul.f32 $8.000000000e+00, v57;
	[tilespmem:s23+$0xFFFFFF90] =	vst v11;
	v11 =	vld [tilespmem:s23+$0xFFFFFFB0]  }
0x52: {  	v4 =	vmul.f32 $8.000000000e+00, v4;
	v61 =	vld [tilespmem:s24+$0xFFFFFFA0];
	[tilespmem:s23+$0xFFFFFFD0] =	vst v3;
	v3 =	vmul.f32 $8.000000000e+00, v6;
	v6 =	vadd.f32 v58, v15  }
0x53: {  	v62 =	vld [tilespmem:s24+$0xFFFFFFE0];
	v13 =	vadd.f32 v59, v13  }
0x54: {  	v0 =	vadd.f32 v0, v4;
	v3 =	vadd.f32 v7, v3;
	v7 =	vmul.f32 $8.000000000e+00, v8;
	[tilespmem:s23+$0x10] =	vst v6;
	v6 =	vld [tilespmem:s23+$0x70]  }
0x55: {  	v4 =	vmul.f32 $8.000000000e+00, v56;
	v8 =	vld [tilespmem:s24+$0x20];
	[tilespmem:s23+$0x60] =	vst v13  }
0x56: {  	[tilespmem:s22+$0x70] =	vst v0;
	v0 =	vmul.f32 $8.000000000e+00, v2;
	v1 =	vadd.f32 v1, v7;
	v7 =	vmul.f32 $8.000000000e+00, v60;
	v63 =	vld [tilespmem:s24+$0x70]  }
0x57: {  	[tilespmem:s22+$0x20] =	vst v3;
	v4 =	vadd.f32 v61, v4;
	v3 =	vld [tilespmem:s23+$0xFFFFFFF0]  }
0x58: {  	s26 =	smul.u32 $0xC800, s21;
	v2 =	vld [tilespmem:s23+$0x30];
	[tilespmem:s22+$0xFFFFFFB0] =	vst v1;
	v1 =	vadd.f32 v62, v7;
	v7 =	vadd.f32 v9, v0;
	v9 =	vmul.f32 $8.000000000e+00, v10  }
0x59: {  	[tilespmem:s23+$0xFFFFFFA0] =	vst v4;
	v4 =	vld [tilespmem:s25+$0x30];
	v10 =	vmul.f32 $8.000000000e+00, v6  }
0x5a: {  	s28 =	simm.s32 $0x6580;
	s26 =	sshrl.u32 s26, $0x2;
	v0 =	vmul.f32 $8.000000000e+00, v5;
	v5 =	vld [tilespmem:s24+$0xFFFFFFB0];
	[tilespmem:s23+$0xFFFFFFE0] =	vst v1;
	v8 =	vadd.f32 v8, v9  }
0x5b: {  	s29 =	sadd.s32 $0x100, s23;
	s25 =	sadd.s32 $0x9600, s26;
	s26 =	simm.s32 $0x4;
	[tilespmem:s22+$0xFFFFFFF0] =	vst v7;
	v1 =	vmul.f32 $8.000000000e+00, v11;
	v6 =	vld [tilespmem:s24+$0xFFFFFFF0];
	v7 =	vadd.f32 v63, v10  }
.LBB2_3:
0x5c: {  	v9 =	vld [tilespmem:s29+$0x40];
	s26 =	sadd.s32 $0x4, s26;
	v3 =	vmul.f32 $8.000000000e+00, v3;
	[tilespmem:s23+$0x20] =	vst v8  }
0x5d: {  	s24 =	sadd.s32 $0x100, s24;
	v8 =	vld [tilespmem:s29+$0xFFFFFFC0];
	p0 =	slt.u32 s26, $0xC4;
	v2 =	vmul.f32 $8.000000000e+00, v2;
	[tilespmem:s23+$0x70] =	vst v7  }
0x5e: {  	v7 =	vld [tilespmem:s24+$0x40];
	v4 =	vadd.f32 v4, v0  }
0x5f: {  	v10 =	vld [tilespmem:s29+$0x0];
	v1 =	vadd.f32 v5, v1;
	v0 =	vmov v2  }
0x60: {  	v2 =	vld [tilespmem:s29+$0xFFFFFF80];
	v3 =	vadd.f32 v6, v3;
	[tilespmem:s22+$0x30] =	vst v4;
	s22 =	smov.u32 s23;
	s23 =	smov.u32 s29  }
0x61: {  	v4 =	vld [tilespmem:s24+$0xFFFFFF80];
	v5 =	vmul.f32 $8.000000000e+00, v9;
	[tilespmem:s22+$0xFFFFFFB0] =	vst v1  }
0x62: {  	v1 =	vmul.f32 $8.000000000e+00, v8;
	v6 =	vld [tilespmem:s24+$0xFFFFFFC0];
	[tilespmem:s22+$0xFFFFFFF0] =	vst v3  }
0x63: {  	v3 =	vld [tilespmem:s24+$0x0];
	v5 =	vadd.f32 v7, v5  }
0x64: {  	v7 =	vmul.f32 $8.000000000e+00, v10;
	v8 =	vld [tilespmem:s29+$0x50]  }
0x65: {  	v2 =	vmul.f32 $8.000000000e+00, v2;
	v9 =	vld [tilespmem:s29+$0xFFFFFF90];
	[tilespmem:s29+$0x40] =	vst v5  }
0x66: {  	v5 =	vld [tilespmem:s24+$0x50]  }
0x67: {  	v2 =	vadd.f32 v4, v2;
	v1 =	vadd.f32 v6, v1;
	v4 =	vld [tilespmem:s29+$0xFFFFFFD0]  }
0x68: {  	v3 =	vadd.f32 v3, v7;
	v6 =	vld [tilespmem:s29+$0x10]  }
0x69: {  	[tilespmem:s29+$0xFFFFFF80] =	vst v2;
	v2 =	vld [tilespmem:s29+$0xFFFFFFA0];
	v7 =	vmul.f32 $8.000000000e+00, v8  }
0x6a: {  	v8 =	vmul.f32 $8.000000000e+00, v9;
	v9 =	vld [tilespmem:s24+$0xFFFFFF90];
	[tilespmem:s29+$0xFFFFFFC0] =	vst v1  }
0x6b: {  	v1 =	vld [tilespmem:s24+$0xFFFFFFD0];
	[tilespmem:s29+$0x0] =	vst v3;
	v3 =	vadd.f32 v5, v7  }
0x6c: {  	v4 =	vmul.f32 $8.000000000e+00, v4;
	v5 =	vld [tilespmem:s29+$0x60]  }
0x6d: {  	v6 =	vmul.f32 $8.000000000e+00, v6;
	v7 =	vld [tilespmem:s24+$0x10];
	[tilespmem:s29+$0x50] =	vst v3  }
0x6e: {  	v2 =	vmul.f32 $8.000000000e+00, v2;
	v3 =	vld [tilespmem:s24+$0x60]  }
0x6f: {  	v8 =	vadd.f32 v9, v8;
	v9 =	vld [tilespmem:s29+$0xFFFFFFE0]  }
0x70: {  	v1 =	vadd.f32 v1, v4;
	v4 =	vld [tilespmem:s29+$0x20]  }
0x71: {  	[tilespmem:s29+$0xFFFFFF90] =	vst v8;
	v8 =	vld [tilespmem:s29+$0xFFFFFFB0];
	v5 =	vmul.f32 $8.000000000e+00, v5  }
0x72: {  	v10 =	vld [tilespmem:s24+$0xFFFFFFA0];
	[tilespmem:s29+$0xFFFFFFD0] =	vst v1;
	v1 =	vadd.f32 v7, v6  }
0x73: {  	v6 =	vld [tilespmem:s24+$0xFFFFFFE0];
	v3 =	vadd.f32 v3, v5  }
0x74: {  	v5 =	vmul.f32 $8.000000000e+00, v9;
	[tilespmem:s29+$0x10] =	vst v1;
	v7 =	vld [tilespmem:s29+$0x70]  }
0x75: {  	v9 =	vmul.f32 $8.000000000e+00, v4;
	v11 =	vld [tilespmem:s24+$0x20];
	[tilespmem:s29+$0x60] =	vst v3  }
0x76: {  	v1 =	vmul.f32 $8.000000000e+00, v8;
	v12 =	vld [tilespmem:s24+$0x70]  }
.Ltmp0:
0x77: {  	v4 =	vadd.f32 v10, v2;
	v3 =	vld [tilespmem:s29+$0xFFFFFFF0];
	(pc) =	sbr.rel @p0 .LBB2_3-.Ltmp0, $4  }
0x78: {  	v6 =	vadd.f32 v6, v5;
	v2 =	vld [tilespmem:s29+$0x30]  }
0x79: {  	[tilespmem:s29+$0xFFFFFFA0] =	vst v4;
	v7 =	vmul.f32 $8.000000000e+00, v7;
	v4 =	vld [tilespmem:s28+$0x30];
	s28 =	smov.u32 s24  }
0x7a: {  	v5 =	vld [tilespmem:s24+$0xFFFFFFB0];
	[tilespmem:s29+$0xFFFFFFE0] =	vst v6;
	v8 =	vadd.f32 v11, v9  }
0x7b: {  	s29 =	sadd.s32 $0x100, s29;
	v6 =	vld [tilespmem:s24+$0xFFFFFFF0];
	v7 =	vadd.f32 v12, v7  }
0x7c: {  	[tilespmem:s23+$0x20] =	vst v8  }
0x7d: {  	v8 =	vld [tilespmem:s28+$0x30];
	_ =	sdelay $0x1  }
0x7e: {  	v3 =	vmul.f32 $8.000000000e+00, v3;
	v0 =	vadd.f32 v4, v0  }
0x7f: {  	v2 =	vmul.f32 $8.000000000e+00, v2;
	[tilespmem:s23+$0x70] =	vst v7;
	v1 =	vadd.f32 v5, v1  }
0x80: {  	s31 =	sadd.s32 s3, s20;
	v3 =	vadd.f32 v6, v3;
	[tilespmem:s22+$0x30] =	vst v0  }
0x81: {  	s22 =	smul.u32 $0xC80, s31;
	[tilespmem:s23+$0xFFFFFFB0] =	vst v1;
	v63 =	vadd.f32 v8, v2  }
0x82: {  	[tilespmem:s23+$0xFFFFFFF0] =	vst v3  }
0x83: {  	s21 =	sadd.s32 $0x5, s21;
	s22 =	sadd.s32 s6, s22;
	[tilespmem:s23+$0x30] =	vst v63  }
0x84: {  	[hbm4b:s22+s14] =	stream.strided.scatter [tilespmem:s25], [sflag:s21], $0x3200, s15, s14, $0x38;
	[tilespmem:$0x15E00] =	vst v63  }
0x85: {  	s22 =	sadd.s32 $0x2, s20  }
0x86: {  	p0 =	slt.u32 s20, $0x2;
	s21 =	sand.u32 $0x3, s22  }
0x87: {  	s23 =	sadd.s32 @!p0 $0x5, s21  }
0x88: {  	p1 =	sgt.u32 @!p0 s20, $0x7D;
	_ =	swait.ge @!p0 [sflag:s23], $0x3200  }
0x89: {  	p1 =	por p0, !p1;
	s20 =	sadd.s32 $0x1, s20;
	[sflag:s23] =	ssyncset.done @!p0 $0x0  }
0x8a: {  	[sflag:s23] =	ssyncadd.s32 @!p0 $0xFFFFCE00;
	s23 =	smul.u32 @p1 $0xC800, s21;
	p0 =	sne.s32 s20, $0x80  }
.Ltmp1:
0x8b: {  	_ = 	snop;
	(pc) =	sbr.rel @p0 .LBB2_2-.Ltmp1, $4  }
0x8c: {  	s22 =	smul.u32 @p1 $0x320, s22  }
0x8d: {  	s19 =	sadd.s32 $0x1, s19;
	s23 =	sshrl.u32 @p1 s23, $0x2  }
0x8e: {  	s22 =	sshra.s32 @p1 s22, $0x2;
	s21 =	sadd.s32 @p1 $0x1, s21;
	s23 =	sadd.s32 @p1 $0x9600, s23  }
0x8f: {  	[tilespmem:s23], [sflag:s21] =	stream.indirect.gather @p1 [hbm4b:s4+s11], $0x40, s22, s11, $0xb8;
	[tilespmem:$0x15E00] =	vst v63  }
0x90: {  	s18 =	sadd.s32 $0x1, s18  }
0x91: {  	_ =	swait.ge [sflag:s16], $0x3200;
	p0 =	sne.s32 s18, s8  }
.Ltmp2:
0x92: {  	[sflag:s16] =	ssyncset.done $0x0;
	(pc) =	sbr.rel @p0 .LBB2_1-.Ltmp2, $4  }
0x93: {  	[sflag:s16] =	ssyncadd.s32 $0xFFFFCE00  }
0x94: {  	_ =	swait.ge [sflag:s17], $0x3200  }
0x95: {  	[sflag:s17] =	ssyncset.done $0x0  }
0x96: {  	[sflag:s17] =	ssyncadd.s32 $0xFFFFCE00  }
0x97: {  	_ =	sfence.sel $0x180000  }
0x98: {  	[bflag:$0x0] =	sbarrier.arrive $0xFFFF  }
0x99: {  	p0 =	sne.s32 s1, $0x0;
	_ =	strace $0x90000047  }
0x9a: {  	s0 =	sadd.s32 @!p0 $0x100000, s0;
	[bflag:$0x2] =	sbarrier.arrive $0xFFFF  }
0x9b: {  	[sflag:s0] =	ssyncadd.tile.s32 @!p0 $0x1;
	_ =	shalt  }
.Lfunc_end2:
_tile_overlayer_lowered:
.L_overlay_start_2:
0x9c: {  	(tag) =	ssettag $0x2  }
0x9d: {  	s0 =	rddreg [dreg:$0x0];
	s2 =	stileid.u32  }
0x9e: {  	s1 =	rddreg [dreg:$0x1];
	p0 =	sne.s32 s2, $0x0  }
0x9f: {  	s3 =	rddreg [dreg:$0x2];
	[bflag:$0x3] =	sbarrier.arrive $0xFFFF;
	s2 =	simm.s32 @!p0 $0x1C09  }
0xa0: {  	[timem:s3], [sflag:s2] =	dma.local @!p0 [hbm:s0], s1  }
0xa1: {  	s0 =	simm.s32 @!p0 $0x9  }
0xa2: {  	_ =	swait.ge @!p0 [sflag:s0], s1  }
0xa3: {  	s1 =	ssub.s32 @!p0 $0x0, s1;
	[sflag:s0] =	ssyncset.done @!p0 $0x0  }
0xa4: {  	[sflag:s0] =	ssyncadd.s32 @!p0 s1  }
0xa5: {  	[bflag:$0x3] =	sbarrier.arrive $0xFFFF  }
0xa6: {  	_ =	shalt  }

// kernel: sparse-core-data-format-call.cloned.1.call-start
scs
called_computation_lowered:
.L_overlay_start_0:
0x0: {  	s2 =	sld [smem:$0x3FD9]  }
0x1: {  	s3 =	sld [smem:$0x3FFE];
	_ =	sdelay $0x1  }
0x2: {  	s1 =	srdreg.scid  }
0x3: {  	s0 =	sand.u32 $0x1, s1  }
0x4: {  	s18 =	sshll.u32 s0, $0xA;
	s2 =	sadd.s32 s3, s2  }
0x5: {  	s2 =	sadd.s32 s2, s18  }
0x6: {  	[smem:$0x3FC5] =	sst s2  }
0x7: {  	_ = 	snop  }
0x8: {  	s2 =	sld [smem:$0x3FD0];
	(tm) =	ssettm $0x1  }
0x9: {  	s19 =	sld [smem:$0x3FFB];
	_ =	sdelay $0x3  }
0xa: {  	_ =	strace s19  }
0xb: {  	s3 =	sld [smem:$0x3FFC];
	_ =	sdelay $0x3  }
0xc: {  	_ =	strace s3  }
0xd: {  	s3 =	sld [smem:$0x3FFD];
	_ =	sdelay $0x3  }
0xe: {  	_ =	strace s3  }
0xf: {  	_ =	strace $0x8FFFFFFF  }
0x10: {  	s20 =	sld [smem:$0x3FDB];
	_ =	sdelay $0x1  }
0x11: {  	s4 =	simm.s32 $_scs_section_size  }
0x12: {  	s5 =	simm.s32 $_size__tile_overlayer_lowered;
	s6 =	simm.s32 $_tile_overlayer_lowered  }
0x13: {  	s23 =	simm.s32 $0x1BFF;
	s22 =	sshll.u32 s6, $0x1;
	s3 =	sadd.s32 s4, s20  }
0x14: {  	s7 =	simm.s32 $0x0;
	s21 =	sshll.u32 s5, $0x1;
	s5 =	sadd.s32 s22, s3  }
0x15: {  	[timem:s7], [sflag:s23] =	dma.local [hbm:s5], s21  }
0x16: {  	_ =	swait.ge [sflag:s23], s21  }
0x17: {  	s4 =	ssub.s32 $0x0, s21;
	[sflag:s23] =	ssyncset.done $0x0  }
0x18: {  	[sflag:s23] =	ssyncadd.s32 s4;
	_ =	sdelay $0x1  }
0x19: {  	s24 =	simm.s32 $0x1B8B  }
0x1a: {  	_ =	swait.ge [sflag:s24], $0x1  }
0x1b: {  	[sflag:s24] =	ssyncset.done $0x0  }
0x1c: {  	s26 =	simm.s32 $0x1B8E;
	s25 =	sld [smem:$0x3FFE];
	[sflag:s24] =	ssyncadd.s32 $0xFFFFFFFF  }
0x1d: {  	s27 =	simm.s32 $execute0_lowered;
	[smem:$0x3FD2] =	sst s26  }
0x1e: {  	s5 =	sshll.u32 s27, $0x1;
	_ =	strace $0x80000049;
	[dreg:$0x1] =	wrdreg $0xFFFFFFFF  }
0x1f: {  	s28 =	simm.s32 $_size_execute0_lowered;
	s3 =	sadd.s32 s3, s5;
	[dreg:$0x0] =	wrdreg $0x0  }
0x20: {  	s5 =	sshll.u32 s28, $0x1;
	[dreg:$0x2] =	wrdreg s3  }
0x21: {  	[dreg:$0x3] =	wrdreg s5  }
0x22: {  	[dreg:$0x4] =	wrdreg $0xC0  }
0x23: {  	_ =	task [dreg:s7], $0x5FFFF  }
0x24: {  	[dreg:$0x1] =	wrdreg $0xFFFFFFFF  }
0x25: {  	[dreg:$0x0] =	wrdreg $0x60  }
0x26: {  	[dreg:$0x2] =	wrdreg s25  }
0x27: {  	[dreg:$0x3] =	wrdreg s2  }
0x28: {  	[dreg:$0x4] =	wrdreg $0x9  }
0x29: {  	_ =	task.clear_ibuf [dreg:s7], $0x5FFFF;
	_ =	strace $0x90000049  }
0x2a: {  	s29 =	simm.s32 $0x9;
	_ =	strace $0x8000004B  }
0x2b: {  	_ =	swait.ge [sflag:s29], $0x1  }
0x2c: {  	[sflag:s29] =	ssyncadd.s32 $0xFFFFFFFF  }
0x2d: {  	_ =	strace $0x9000004B  }
0x2e: {  	_ =	sfence  }
0x2f: {  	s30 =	sld [smem:$0x0];
	_ =	sdelay $0x2  }
0x30: {  	s31 =	sshll.u32 s1, $0xD;
	s1 =	sshrl.u32 s1, $0x2  }
0x31: {  	s3 =	sand.u32 $0x4000, s31;
	s1 =	sadd.s32 s1, s30  }
0x32: {  	s0 =	sor.u32 s3, s0;
	s1 =	sshll.u32 s1, $0x11  }
0x33: {  	s0 =	sor.u32 s1, s0  }
0x34: {  	s0 =	sadd.s32 $0x8F2B, s0  }
0x35: {  	[sflag:s0] =	ssyncadd.remote.s32 $0x1  }
0x36: {  	_ =	sfence.sel $0xFFFF  }
0x37: {  	[dreg:$0x0] =	wrdreg $0xFFFFFFFF;
	(pc) =	sbr.abs _section_cstart, $3  }
0x38: {  	[dreg:$0x1] =	wrdreg $0xFFFFFFFF  }
0x39: {  	_ =	task.clear_ibuf [dreg:s7], $0x2FFFF;
	_ =	strace $0x9FFFFFFF  }
0x3a: {  	(tm) =	ssettm $0x7FFFFFFF  }
0x3b: {  	_ =	shalt  }
tec
execute0_lowered:
.L_overlay_start_1:
0x0: {  	(tag) =	ssettag $0x1  }
0x1: {  	s0 =	srdreg.scid  }
0x2: {  	s1 =	sshll.u32 s0, $0x4  }
0x3: {  	s0 =	stileid.u32;
	s1 =	sand.u32 $0x10, s1  }
0x4: {  	s1 =	sor.u32 s0, s1  }
0x5: {  	s6 =	rddreg [dreg:$0x0];
	s4 =	simm.s32 $0x1;
	s2 =	sshll.u32 s1, $0x7  }
0x6: {  	s7 =	simm.s32 $0x2;
	s12 =	simm.s32 $0x0;
	s1 =	ssub.s32 $0x1000, s2  }
0x7: {  	s8 =	simm.s32 $0x8000;
	s13 =	simm.s32 $0x0;
	s3 =	sand.u32 $0xF80, s1  }
0x8: {  	s9 =	simm.s32 $0x0;
	s5 =	sshrl.u32 s1, $0xC;
	p0 =	sne.s32 s3, $0x0  }
.Ltmp0:
0x9: {  	s1 =	rddreg [dreg:$0x2];
	s4 =	simm.s32 @!p0 $0x0;
	(pc) =	sbr.rel .LBB1_1-.Ltmp0, $4  }
0xa: {  	s11 =	simm.s32 $0x0;
	s3 =	rddreg [dreg:$0x1];
	s5 =	sadd.s32 s4, s5  }
0xb: {  	_ =	strace $0x8000004A;
	s4 =	simm.s32 $0x1;
	s5 =	smul.u32 $0xC8, s5  }
0xc: {  	s6 =	sadd.s32 $0x1400, s6;
	s10 =	smov.u32 s2;
	[sflag:s4] =	ssyncpa.u1 $0x0  }
0xd: {  	p0 =	por $0x0, $0x0;
	[sflag:s7] =	ssyncpa.u1 $0x0;
	s7 =	sor.u32 $0x1, s5  }
.LBB1_4:
0xe: {  	s16 =	sshll.u32 s13, $0x3;
	s17 =	sand.u32 $0x78, s13  }
0xf: {  	s30 =	sand.u32 $0x7E00, s13;
	s12 =	sshll.u32 s12, $0xF;
	s16 =	sand.u32 $0xC00, s16  }
0x10: {  	[tilespmem:s15+$0x810 ss:$0x81] =	vst.msk $0xffff, v2;
	s31 =	sand.u32 $0x7, s13;
	s16 =	sor.u32 s17, s16;
	s17 =	sadd.s32 s3, s30  }
0x11: {  	[tilespmem:s15+$0x1020 ss:$0x81] =	vst.msk $0xffff, v0;
	s13 =	sshll.u32 s31, $0x12;
	s12 =	sadd.s32 s12, s17;
	s16 =	sshrl.u32 s16, $0x3  }
0x12: {  	[tilespmem:s15+$0x0 ss:$0x81] =	vst.msk $0xffff, v1;
	s13 =	sor.u32 $0x400, s13;
	s12 =	sadd.s32 s16, s12  }
0x13: {  	[hbm4b:s12+s13] =	stream.strided.scatter [tilespmem:s14], [sflag:$0x2], $0x2000, s8, s13, $0x20;
	[tilespmem:$0x8080] =	vst v63  }
.LBB1_5:
0x14: {  	s14 =	sadd.s32 $0x1, s9  }
0x15: {  	s12 =	sadd.s32 $0x1000, s10;
	s16 =	smov.u32 s10;
	p2 =	sgt.s32 s14, $0xC7  }
0x16: {  	s16 =	smov.u32 @p2 s12  }
0x17: {  	s14 =	simm.s32 @p2 $0x0;
	p2 =	sgt.s32 s16, $0xFFF  }
0x18: {  	s16 =	smov.u32 @p2 s2;
	p2 =	sne.s32 s11, s7  }
.Ltmp1:
0x19: {  	p1 =	slt.u32 s11, $0x2;
	(pc) =	sbr.rel @!p2 .LBB1_6-.Ltmp1, $4  }
0x1a: {  	s15 =	simm.s32 @!p1 $0x2  }
0x1b: {  	s13 =	smov.u32 s10;
	p0 =	por !p0, !p0;
	_ =	swait.ge @!p1 [sflag:s15], $0x2000  }
0x1c: {  	s12 =	smov.u32 s9;
	[sflag:s15] =	ssyncset.done @!p1 $0x0;
	s9 =	smov.u32 s14  }
0x1d: {  	s11 =	sadd.s32 $0x1, s11;
	[sflag:s15] =	ssyncadd.s32 @!p1 $0xFFFFE000;
	s10 =	smov.u32 s16  }
.LBB1_1:
0x1e: {  	p1 =	sge.u32 s11, s5  }
0x1f: {  	s14 =	sand.u32 @!p1 $0x1FFFFFF, s9  }
0x20: {  	s15 =	smulhi.u32 @!p1 $0x147AE15, s14;
	_ =	sdelay $0x1  }
0x21: {  	s15 =	smul.u32 @!p1 $0xC8, s15  }
0x22: {  	s16 =	sxor.u32 @!p1 $0xFFFFFFFF, s11;
	s17 =	smul.u32 @!p1 $0xC80, s10  }
0x23: {  	s31 =	sadd.s32 $0xFFFFFFFF, s11;
	s16 =	sshll.u32 @!p1 s16, $0xD;
	s14 =	ssub.s32 @!p1 s14, s15  }
0x24: {  	s15 =	sand.u32 @!p1 $0x2000, s16;
	s16 =	sadd.s32 @!p1 s6, s17;
	s14 =	sshll.u32 @!p1 s14, $0x4  }
0x25: {  	s17 =	simm.s32 @!p1 $0x6400;
	s14 =	sadd.s32 @!p1 s14, s16;
	s16 =	simm.s32 @!p1 $0x40  }
0x26: {  	[tilespmem:s15], [sflag:$0x1] =	stream.strided.gather @!p1 [hbm4b:s14+s16], $0x2000, s17, s16, $0x38;
	[tilespmem:$0x8080] =	vst v63  }
0x27: {  	p1 =	sge.u32 s31, s5  }
.Ltmp2:
0x28: {  	_ = 	snop;
	(pc) =	sbr.rel @p1 .LBB1_5-.Ltmp2, $1  }
0x29: {  	_ =	sdelay $0x3  }
0x2a: {  	s14 =	simm.s32 $0x1  }
0x2b: {  	_ =	swait.ge [sflag:s4], $0x2000;
	s14 =	simm.s32 @!p0 $0x0  }
0x2c: {  	[sflag:s4] =	ssyncset.done $0x0;
	s15 =	sshll.u32 s14, $0xD  }
0x2d: {  	[sflag:s4] =	ssyncadd.s32 $0xFFFFE000;
	s18 =	sor.u32 $0x20, s15  }
0x2e: {  	s14 =	smul.u32 $0x8100, s14;
	v3 =	vld [tilespmem:s18+$0x10]  }
0x2f: {  	s30 =	sand.u32 $0x1, s11;
	v2 =	vld [tilespmem:s18+$0xFFFFFFF0]  }
0x30: {  	s15 =	smul.u32 $0x8100, s30;
	s14 =	sshrl.u32 s14, $0x2;
	v0 =	vld [tilespmem:s18+$0x0]  }
0x31: {  	v1 =	vld [tilespmem:s18+$0xFFFFFFE0];
	s16 =	sor.u32 $0x4000, s14  }
0x32: {  	s31 =	sshrl.u32 s15, $0x2;
	s15 =	sadd.s32 $0x0, s16  }
0x33: {  	s17 =	simm.s32 $0x4;
	s18 =	sadd.s32 $0x40, s18;
	s14 =	sor.u32 $0x4000, s31;
	[tilespmem:s15+$0x1830 ss:$0x81] =	vst.msk $0xffff, v3  }
.LBB1_3:
0x34: {  	v3 =	vld [tilespmem:s18+$0x10];
	p1 =	sne.s32 s17, $0x1FC;
	[tilespmem:s15+$0x810 ss:$0x81] =	vst.msk $0xffff, v2;
	s19 =	smov.u32 s17;
	s17 =	sadd.s32 $0x4, s17  }
.Ltmp3:
0x35: {  	v2 =	vld [tilespmem:s18+$0xFFFFFFF0];
	[tilespmem:s15+$0x1020 ss:$0x81] =	vst.msk $0xffff, v0;
	(pc) =	sbr.rel @p1 .LBB1_3-.Ltmp3, $4  }
0x36: {  	v0 =	vld [tilespmem:s18+$0x0];
	[tilespmem:s15+$0x0 ss:$0x81] =	vst.msk $0xffff, v1  }
0x37: {  	s15 =	sshra.s32 s19, $0x2;
	v1 =	vld [tilespmem:s18+$0xFFFFFFE0]  }
0x38: {  	s15 =	sadd.s32 s15, s16  }
0x39: {  	s18 =	sadd.s32 $0x40, s18;
	[tilespmem:s15+$0x1830 ss:$0x81] =	vst.msk $0xffff, v3  }
.Ltmp4:
0x3a: {  	_ = 	snop;
	(pc) =	sbr.rel .LBB1_4-.Ltmp4, $1  }
0x3b: {  	_ =	sdelay $0x3  }
.LBB1_6:
0x3c: {  	_ =	sfence.sel $0x180000  }
0x3d: {  	s2 =	simm.s32 $0x1;
	[bflag:$0x0] =	sbarrier.arrive $0xFFFF  }
0x3e: {  	s31 =	simm.s32 $0x2;
	[sflag:s2] =	ssyncpa.u1 $0x1  }
0x3f: {  	[sflag:s31] =	ssyncpa.u1 $0x1  }
0x40: {  	p0 =	sne.s32 s0, $0x0;
	_ =	strace $0x9000004A  }
0x41: {  	s0 =	sadd.s32 @!p0 $0x100000, s1;
	[bflag:$0x2] =	sbarrier.arrive $0xFFFF  }
0x42: {  	[sflag:s0] =	ssyncadd.tile.s32 @!p0 $0x1;
	_ =	shalt  }
.Lfunc_end1:
_tile_overlayer_lowered:
.L_overlay_start_2:
0x43: {  	(tag) =	ssettag $0x2  }
0x44: {  	s0 =	rddreg [dreg:$0x0];
	s2 =	stileid.u32  }
0x45: {  	s1 =	rddreg [dreg:$0x1];
	p0 =	sne.s32 s2, $0x0  }
0x46: {  	s3 =	rddreg [dreg:$0x2];
	[bflag:$0x3] =	sbarrier.arrive $0xFFFF;
	s2 =	simm.s32 @!p0 $0x1C01  }
0x47: {  	[timem:s3], [sflag:s2] =	dma.local @!p0 [hbm:s0], s1  }
0x48: {  	s0 =	simm.s32 @!p0 $0x1  }
0x49: {  	_ =	swait.ge @!p0 [sflag:s0], s1  }
0x4a: {  	s1 =	ssub.s32 @!p0 $0x0, s1;
	[sflag:s0] =	ssyncset.done @!p0 $0x0  }
0x4b: {  	[sflag:s0] =	ssyncadd.s32 @!p0 s1  }
0x4c: {  	[bflag:$0x3] =	sbarrier.arrive $0xFFFF  }
0x4d: {  	_ =	shalt  }

</sc_bundles>
